<compile_context>
chip_gen: v7x
topology: tpu7x:2x2x1
jax: 0.10.2.dev20260603
libtpu: 0.0.44.dev20260713+nightly
codegen_flags: <defaults>
</compile_context>

<pallas_src>
import dataclasses
import functools

import jax
import jax.numpy as jnp
from jax import lax
from jax.experimental import pallas as pl
from jax.experimental.pallas import tpu as pltpu
from jax.experimental.pallas import tpu_sc as plsc

N = 10000
E = 320000
D = 128
H = 128
NPAD = 10240
NCORES = 2
NSUB = 16
NW = NCORES * NSUB
CHUNK = 128
NCHUNKS = E // CHUNK
ROWS_PER_SUB = NPAD // NSUB

_SC_MESH = plsc.VectorSubcoreMesh(core_axis_name="c", subcore_axis_name="s")

_CP = pltpu.CompilerParams()
if "needs_layout_passes" in pltpu.CompilerParams.__dataclass_fields__:
    _CP = dataclasses.replace(_CP, needs_layout_passes=False)


def _make_seg_sum():
    out_type = [jax.ShapeDtypeStruct((NCORES * NPAD, H), jnp.float32)]
    scratch = [
        pltpu.VMEM((2, CHUNK), jnp.int32),
        pltpu.VMEM((2, CHUNK), jnp.int32),
        pltpu.VMEM((CHUNK, H), jnp.float32),
        pltpu.VMEM((CHUNK, H), jnp.float32),
        pltpu.VMEM_SHARED((NPAD, H), jnp.float32),
        pltpu.SemaphoreType.DMA,
        pltpu.SemaphoreType.DMA,
    ]

    def body(hc_hbm, ei_hbm, acc_out, idx0, idx1, rows0, rows1,
             acc_sh, sem0, sem1):
        cid = lax.axis_index("c")
        sid = lax.axis_index("s")
        wid = cid * NSUB + sid
        base = sid * ROWS_PER_SUB
        zv = jnp.zeros((16,), jnp.float32)

        @pl.loop(0, CHUNK)
        def _(r):
            @pl.loop(0, H // 16)
            def _(c):
                rows0[r, pl.ds(c * 16, 16)] = zv

        @pl.loop(0, ROWS_PER_SUB // CHUNK)
        def _(k):
            off = pl.multiple_of(base + k * CHUNK, CHUNK)
            pltpu.sync_copy(rows0, acc_sh.at[pl.ds(off, CHUNK)])

        plsc.subcore_barrier()

        def load_idx(buf, c):
            eoff = pl.multiple_of(c * CHUNK, CHUNK)
            pltpu.sync_copy(ei_hbm.at[:, pl.ds(eoff, CHUNK)], buf)

        def start_gather(idx, rows, sem):
            pltpu.async_copy(hc_hbm.at[idx.at[0]], rows, sem)

        def wait_gather(idx, rows, sem):
            pltpu.make_async_copy(hc_hbm.at[idx.at[0]], rows, sem).wait()

        def scatter(idx, rows):
            pltpu.sync_copy(rows, acc_sh.at[idx.at[1]], add=True)

        max_iters = (NCHUNKS + NW - 1) // NW
        load_idx(idx0, wid)
        start_gather(idx0, rows0, sem0)
        load_idx(idx1, wid + NW)
        start_gather(idx1, rows1, sem1)

        @pl.loop(0, (max_iters + 1) // 2)
        def _(t):
            c0 = wid + (2 * t) * NW

            @pl.when(c0 < NCHUNKS)
            def _():
                wait_gather(idx0, rows0, sem0)
                scatter(idx0, rows0)
                c2 = c0 + 2 * NW

                @pl.when(c2 < NCHUNKS)
                def _():
                    load_idx(idx0, c2)
                    start_gather(idx0, rows0, sem0)

            c1 = c0 + NW

            @pl.when(c1 < NCHUNKS)
            def _():
                wait_gather(idx1, rows1, sem1)
                scatter(idx1, rows1)
                c3 = c1 + 2 * NW

                @pl.when(c3 < NCHUNKS)
                def _():
                    load_idx(idx1, c3)
                    start_gather(idx1, rows1, sem1)

        plsc.subcore_barrier()

        ooff = pl.multiple_of(cid * NPAD + base, CHUNK)
        pltpu.sync_copy(acc_sh.at[pl.ds(base, ROWS_PER_SUB)],
                        acc_out.at[pl.ds(ooff, ROWS_PER_SUB)])

    return pl.kernel(body, out_type=out_type, mesh=_SC_MESH,
                     scratch_types=scratch)


def _make_cnt():

    def body(dst_hbm, cnt_out, idx_d, cnt_v):
        cid = lax.axis_index("c")
        sid = lax.axis_index("s")
        wid = cid * NSUB + sid
        zv = jnp.zeros((16,), jnp.float32)
        ones16 = jnp.ones((16,), jnp.float32)

        @pl.loop(0, NPAD // 16)
        def _(r):
            cnt_v[pl.ds(r * 16, 16)] = zv

        max_iters = (NCHUNKS + NW - 1) // NW

        @pl.loop(0, max_iters)
        def _(i):
            c = wid + i * NW

            @pl.when(c < NCHUNKS)
            def _():
                eoff = pl.multiple_of(c * CHUNK, CHUNK)
                pltpu.sync_copy(dst_hbm.at[pl.ds(eoff, CHUNK)], idx_d)

                @pl.loop(0, CHUNK // 16)
                def _(j):
                    vec = idx_d[pl.ds(j * 16, 16)]
                    plsc.addupdate_scatter(cnt_v, [vec], ones16)

        pltpu.sync_copy(cnt_v, cnt_out.at[wid])

    return pl.kernel(
        body,
        out_type=jax.ShapeDtypeStruct((NW, NPAD), jnp.float32),
        mesh=_SC_MESH,
        scratch_types=[pltpu.VMEM((CHUNK,), jnp.int32),
                       pltpu.VMEM((NPAD,), jnp.float32)],
        compiler_params=_CP)


_seg_sum = _make_seg_sum()
_cnt_kernel = _make_cnt()



_BLK = 1000
_GRID = N // _BLK


def _dn():
    return (((1,), (1,)), ((), ()))


_PREC = lax.Precision.HIGHEST


def _cnt_recip_body(cnt_ref, out_ref):
    s = jnp.sum(cnt_ref[...], axis=0, keepdims=True)
    out_ref[...] = 1.0 / jnp.maximum(s, 1.0)


def _cnt_recip(cnt):
    return pl.pallas_call(
        _cnt_recip_body,
        out_shape=jax.ShapeDtypeStruct((1, NPAD), jnp.float32),
    )(cnt)


def _mm2_body(x_ref, wc_ref, wl_ref, b_ref, hc_ref, hl_ref):
    xx = x_ref[...]
    hc_ref[...] = lax.dot_general(xx, wc_ref[...], _dn(), precision=_PREC,
                                  preferred_element_type=jnp.float32)
    hl_ref[...] = lax.dot_general(xx, wl_ref[...], _dn(), precision=_PREC,
                                  preferred_element_type=jnp.float32) + b_ref[...]


def _mm2(x, wc, wl, b):
    return pl.pallas_call(
        _mm2_body,
        grid=(_GRID,),
        in_specs=[
            pl.BlockSpec((_BLK, D), lambda i: (i, 0)),
            pl.BlockSpec((H, D), lambda i: (0, 0)),
            pl.BlockSpec((H, D), lambda i: (0, 0)),
            pl.BlockSpec((1, H), lambda i: (0, 0)),
        ],
        out_specs=[
            pl.BlockSpec((_BLK, H), lambda i: (i, 0)),
            pl.BlockSpec((_BLK, H), lambda i: (i, 0)),
        ],
        out_shape=[
            jax.ShapeDtypeStruct((N, H), jnp.float32),
            jax.ShapeDtypeStruct((N, H), jnp.float32),
        ],
    )(x, wc, wl, b)


def _combine_mm2_body(hl_ref, a0_ref, a1_ref, cr_ref,
                      wc_ref, wl_ref, b_ref, hc_ref, hl2_ref):
    h1 = jnp.maximum(
        hl_ref[...] + (a0_ref[...] + a1_ref[...]) * cr_ref[...], 0.0)
    hc_ref[...] = lax.dot_general(h1, wc_ref[...], _dn(), precision=_PREC,
                                  preferred_element_type=jnp.float32)
    hl2_ref[...] = lax.dot_general(h1, wl_ref[...], _dn(), precision=_PREC,
                                   preferred_element_type=jnp.float32) + b_ref[...]


def _combine_mm2(hl, a0, a1, cr, wc, wl, b):
    return pl.pallas_call(
        _combine_mm2_body,
        grid=(_GRID,),
        in_specs=[
            pl.BlockSpec((_BLK, H), lambda i: (i, 0)),
            pl.BlockSpec((_BLK, H), lambda i: (i, 0)),
            pl.BlockSpec((_BLK, H), lambda i: (i, 0)),
            pl.BlockSpec((_BLK, 1), lambda i: (i, 0)),
            pl.BlockSpec((H, H), lambda i: (0, 0)),
            pl.BlockSpec((H, H), lambda i: (0, 0)),
            pl.BlockSpec((1, H), lambda i: (0, 0)),
        ],
        out_specs=[
            pl.BlockSpec((_BLK, H), lambda i: (i, 0)),
            pl.BlockSpec((_BLK, H), lambda i: (i, 0)),
        ],
        out_shape=[
            jax.ShapeDtypeStruct((N, H), jnp.float32),
            jax.ShapeDtypeStruct((N, H), jnp.float32),
        ],
    )(hl, a0, a1, cr, wc, wl, b)


def _final_body(hl_ref, a0_ref, a1_ref, cr_ref, out_ref):
    out_ref[...] = hl_ref[...] + (a0_ref[...] + a1_ref[...]) * cr_ref[...]


def _final(hl, a0, a1, cr):
    return pl.pallas_call(
        _final_body,
        grid=(_GRID,),
        in_specs=[
            pl.BlockSpec((_BLK, H), lambda i: (i, 0)),
            pl.BlockSpec((_BLK, H), lambda i: (i, 0)),
            pl.BlockSpec((_BLK, H), lambda i: (i, 0)),
            pl.BlockSpec((_BLK, 1), lambda i: (i, 0)),
        ],
        out_specs=pl.BlockSpec((_BLK, H), lambda i: (i, 0)),
        out_shape=jax.ShapeDtypeStruct((N, H), jnp.float32),
    )(hl, a0, a1, cr)


def kernel(x, edge_index, Wc0, bc0, Wl0, bl0, Wc1, bc1, Wl1, bl1):
    dst = edge_index[1]
    b0 = (bl0 + bc0).reshape(1, H)
    b1 = (bl1 + bc1).reshape(1, H)

    cnt = _cnt_kernel(dst)

    hc0, hl0 = _mm2(x, Wc0, Wl0, b0)

    acc0, = _seg_sum(hc0, edge_index)
    crec = _cnt_recip(cnt).reshape(NPAD, 1)[:N]
    a0_0 = acc0[:N]
    a0_1 = acc0[NPAD:NPAD + N]

    hc1, hl1 = _combine_mm2(hl0, a0_0, a0_1, crec, Wc1, Wl1, b1)

    acc1, = _seg_sum(hc1, edge_index)
    a1_0 = acc1[:N]
    a1_1 = acc1[NPAD:NPAD + N]

    return _final(hl1, a1_0, a1_1, crec)

# --- scband reference (transcript-rebuilt; emitter-appended) ---
"""Pipeline reference for scband-sage-31172872634975 (READ-ONLY COPY).

The authoritative reference and input builder live on the scoring server;
editing this copy changes nothing except your own understanding.
"""

import jax, jax.numpy as jnp
import numpy as np

N, E, D, H = 10000, 320000, 128, 128


def setup_inputs(seed: int = 0):
    key = jax.random.key(seed)
    ks = jax.random.split(key, 12)
    x = jax.random.normal(ks[0], (N, D), dtype=jnp.float32)
    edge_index = jax.random.randint(ks[1], (2, E), 0, N, dtype=jnp.int32)
    s = 0.08
    Wc0 = jax.random.normal(ks[2], (H, D), dtype=jnp.float32) * s
    bc0 = jnp.zeros((H,), dtype=jnp.float32)
    Wl0 = jax.random.normal(ks[3], (H, D), dtype=jnp.float32) * s
    bl0 = jnp.zeros((H,), dtype=jnp.float32)
    Wc1 = jax.random.normal(ks[4], (H, H), dtype=jnp.float32) * s
    bc1 = jnp.zeros((H,), dtype=jnp.float32)
    Wl1 = jax.random.normal(ks[5], (H, H), dtype=jnp.float32) * s
    bl1 = jnp.zeros((H,), dtype=jnp.float32)
    return {"x": x, "edge_index": edge_index, "Wc0": Wc0, "bc0": bc0, "Wl0": Wl0, "bl0": bl0, "Wc1": Wc1, "bc1": bc1, "Wl1": Wl1, "bl1": bl1}


def reference(x, edge_index, Wc0, bc0, Wl0, bl0, Wc1, bc1, Wl1, bl1):
    # SAGE.full_forward with 2 SAGEConv layers (aggr='mean', root_weight=False)
    # layer: x_out = Linear(x) + SAGEConv_mean(x); ReLU after all but last layer
    n = x.shape[0]
    src = edge_index[0]
    dst = edge_index[1]

    def sage_layer(h, Wc, bc, Wl, bl):
        msgs = h[src]                                   # gather source node feats
        summed = jax.ops.segment_sum(msgs, dst, num_segments=n)
        cnt = jax.ops.segment_sum(jnp.ones((msgs.shape[0],), dtype=h.dtype), dst, num_segments=n)
        mean = summed / jnp.maximum(cnt, 1.0)[:, None]  # scatter-mean aggregation
        conv = mean @ Wc.T + bc                         # lin_l on aggregated neighbors
        lin = h @ Wl.T + bl                             # outer Linear on root feats
        return lin + conv

    h = sage_layer(x, Wc0, bc0, Wl0, bl0)
    h = jax.nn.relu(h)  # relu for all layers except the last conv (i != num_layers - 2)
    h = sage_layer(h, Wc1, bc1, Wl1, bl1)
    return h

if __name__ == "__main__":
    import jax
    _d = setup_inputs()
    print(jax.jit(kernel)(*tuple(_d.values())))

</pallas_src>

<mosaic_0001>
#map = affine_map<(d0, d1) -> (0, 0)>
module attributes {stable_mosaic.version = 14 : i64} {
  func.func @body(%arg0: i32, %arg1: i32, %arg2: memref<10000x128xf32, #tpu.memory_space<hbm>>, %arg3: memref<2x320000xi32, #tpu.memory_space<hbm>>, %arg4: memref<20480x128xf32, #tpu.memory_space<hbm>>, %arg5: memref<2x128xi32, #tpu.memory_space<vmem>>, %arg6: memref<2x128xi32, #tpu.memory_space<vmem>>, %arg7: memref<128x128xf32, #tpu.memory_space<vmem>>, %arg8: memref<128x128xf32, #tpu.memory_space<vmem>>, %arg9: memref<10240x128xf32, #tpu.memory_space<vmem_shared>>, %arg10: memref<!tpu.dma_semaphore, #tpu.memory_space<semaphore_mem>>, %arg11: memref<!tpu.dma_semaphore, #tpu.memory_space<semaphore_mem>>) attributes {dimension_semantics = [#tpu.dimension_semantics<core_parallel>, #tpu.dimension_semantics<subcore_parallel>], iteration_bounds = array<i64: 2, 16>, scalar_prefetch = 0 : i64, scratch_operands = 7 : i64, tpu.core_type = #tpu.core_type<sc_vector_subcore>, window_params = [{transform_indices = #map}, {transform_indices = #map}, {transform_indices = #map}]} {
    %mul3A = arith.constant 16 : i32
    %mul3A_0 = arith.muli %arg0, %mul3A : i32
    %add3A = arith.addi %mul3A_0, %arg1 : i32
    %mul3A_1 = arith.constant 640 : i32
    %mul3A_2 = arith.muli %arg1, %mul3A_1 : i32
    %broadcast_in_dim3A = arith.constant 0.000000e+00 : f32
    %broadcast_in_dim3A_3 = vector.broadcast %broadcast_in_dim3A : f32 to vector<16xf32>
    %scan3A = arith.constant 0 : i32
    %scan3A_4 = arith.constant 128 : i32
    %scan3A_5 = arith.addi %scan3A, %scan3A_4 : i32
    %scan3A_6 = arith.constant 1 : i32
    scf.for %scan3A_43 = %scan3A to %scan3A_5 step %scan3A_6  : i32 {
      %mul3A_44 = arith.constant 1 : i32
      %mul3A_45 = arith.muli %scan3A_43, %mul3A_44 : i32
      %add3A_46 = arith.constant 0 : i32
      %add3A_47 = arith.addi %add3A_46, %mul3A_45 : i32
      %scan3A_48 = arith.constant 0 : i32
      %scan3A_49 = arith.constant 8 : i32
      %scan3A_50 = arith.addi %scan3A_48, %scan3A_49 : i32
      %scan3A_51 = arith.constant 1 : i32
      scf.for %scan3A_53 = %scan3A_48 to %scan3A_50 step %scan3A_51  : i32 {
        %mul3A_54 = arith.constant 1 : i32
        %mul3A_55 = arith.muli %scan3A_53, %mul3A_54 : i32
        %add3A_56 = arith.constant 0 : i32
        %add3A_57 = arith.addi %add3A_56, %mul3A_55 : i32
        %mul3A_58 = arith.constant 16 : i32
        %mul3A_59 = arith.muli %add3A_57, %mul3A_58 : i32
        %swap3A = arith.index_cast %add3A_47 : i32 to index
        %swap3A_60 = arith.index_cast %mul3A_59 : i32 to index
        %swap3A_61 = tpu.vector_load %arg7[%swap3A, %swap3A_60] {strides = array<i32>} : memref<128x128xf32, #tpu.memory_space<vmem>>, vector<1x16xf32>,
        %swap3A_62 = vector.shape_cast %swap3A_61 : vector<1x16xf32> to vector<16xf32>
        %swap3A_63 = vector.shape_cast %broadcast_in_dim3A_3 : vector<16xf32> to vector<1x16xf32>
        tpu.vector_store %arg7[%swap3A, %swap3A_60], %swap3A_63 {strides = array<i32>} : memref<128x128xf32, #tpu.memory_space<vmem>>, vector<1x16xf32>,
      }
      %scan3A_52 = arith.constant 8 : i32
    }
    %scan3A_7 = arith.constant 128 : i32
    %scan3A_8 = arith.constant 0 : i32
    %scan3A_9 = arith.constant 5 : i32
    %scan3A_10 = arith.addi %scan3A_8, %scan3A_9 : i32
    %scan3A_11 = arith.constant 1 : i32
    scf.for %scan3A_43 = %scan3A_8 to %scan3A_10 step %scan3A_11  : i32 {
      %mul3A_44 = arith.constant 1 : i32
      %mul3A_45 = arith.muli %scan3A_43, %mul3A_44 : i32
      %add3A_46 = arith.constant 0 : i32
      %add3A_47 = arith.addi %add3A_46, %mul3A_45 : i32
      %mul3A_48 = arith.constant 128 : i32
      %mul3A_49 = arith.muli %add3A_47, %mul3A_48 : i32
      %add3A_50 = arith.addi %mul3A_2, %mul3A_49 : i32
      %multiple_of3A_51 = tpu.assume_multiple %add3A_50, 128 : i32
      "tpu.region"() ({
        %run_scoped3A = tpu.sem_alloc : memref<!tpu.dma_semaphore, #tpu.memory_space<semaphore_mem>>
        %dma_start3A_52 = arith.constant 0 : i32
        %dma_start3A_53 = tpu.memref_slice %arg9[%multiple_of3A_51, %dma_start3A_52] : memref<10240x128xf32, #tpu.memory_space<vmem_shared>> -> memref<128x128xf32, #tpu.memory_space<vmem_shared>>
        %dma_start3A_54 = arith.constant 0 : i32
        %dma_start3A_55 = tpu.memref_slice %arg9[%multiple_of3A_51, %dma_start3A_54] : memref<10240x128xf32, #tpu.memory_space<vmem_shared>> -> memref<128x128xf32, #tpu.memory_space<vmem_shared>>
        tpu.enqueue_dma source(%arg7 : memref<128x128xf32, #tpu.memory_space<vmem>>) target(%dma_start3A_55 : memref<128x128xf32, #tpu.memory_space<vmem_shared>>) target_semaphore(%run_scoped3A : memref<!tpu.dma_semaphore, #tpu.memory_space<semaphore_mem>>)
        %dma_wait3A = arith.constant 0 : i32
        %dma_wait3A_56 = tpu.memref_slice %arg9[%multiple_of3A_51, %dma_wait3A] : memref<10240x128xf32, #tpu.memory_space<vmem_shared>> -> memref<128x128xf32, #tpu.memory_space<vmem_shared>>
        %dma_wait3A_57 = arith.constant 0 : i32
        %dma_wait3A_58 = tpu.memref_slice %arg9[%multiple_of3A_51, %dma_wait3A_57] : memref<10240x128xf32, #tpu.memory_space<vmem_shared>> -> memref<128x128xf32, #tpu.memory_space<vmem_shared>>
        tpu.wait_dma2 semaphore(%run_scoped3A : memref<!tpu.dma_semaphore, #tpu.memory_space<semaphore_mem>>) src(%arg7 : memref<128x128xf32, #tpu.memory_space<vmem>>) dst(%dma_wait3A_58 : memref<128x128xf32, #tpu.memory_space<vmem_shared>>)
        tpu.yield
      }) : () -> ()
    }
    %scan3A_12 = arith.constant 5 : i32
    %barrier3A = arith.constant 0 : index
    tpu.barrier barrier_id(%barrier3A)
    %mul3A_13 = arith.constant 128 : i32
    %mul3A_14 = arith.muli %add3A, %mul3A_13 : i32
    %multiple_of3A = tpu.assume_multiple %mul3A_14, 128 : i32
    "tpu.region"() ({
      %run_scoped3A = tpu.sem_alloc : memref<!tpu.dma_semaphore, #tpu.memory_space<semaphore_mem>>
      %dma_start3A_43 = arith.constant 0 : i32
      %dma_start3A_44 = tpu.memref_slice %arg3[%dma_start3A_43, %multiple_of3A] : memref<2x320000xi32, #tpu.memory_space<hbm>> -> memref<2x128xi32, #tpu.memory_space<hbm>>
      %dma_start3A_45 = arith.constant 0 : i32
      %dma_start3A_46 = tpu.memref_slice %arg3[%dma_start3A_45, %multiple_of3A] : memref<2x320000xi32, #tpu.memory_space<hbm>> -> memref<2x128xi32, #tpu.memory_space<hbm>>
      tpu.enqueue_dma source(%dma_start3A_46 : memref<2x128xi32, #tpu.memory_space<hbm>>) target(%arg5 : memref<2x128xi32, #tpu.memory_space<vmem>>) target_semaphore(%run_scoped3A : memref<!tpu.dma_semaphore, #tpu.memory_space<semaphore_mem>>)
      %dma_wait3A = arith.constant 0 : i32
      %dma_wait3A_47 = tpu.memref_slice %arg3[%dma_wait3A, %multiple_of3A] : memref<2x320000xi32, #tpu.memory_space<hbm>> -> memref<2x128xi32, #tpu.memory_space<hbm>>
      %dma_wait3A_48 = arith.constant 0 : i32
      %dma_wait3A_49 = tpu.memref_slice %arg3[%dma_wait3A_48, %multiple_of3A] : memref<2x320000xi32, #tpu.memory_space<hbm>> -> memref<2x128xi32, #tpu.memory_space<hbm>>
      tpu.wait_dma2 semaphore(%run_scoped3A : memref<!tpu.dma_semaphore, #tpu.memory_space<semaphore_mem>>) src(%dma_wait3A_49 : memref<2x128xi32, #tpu.memory_space<hbm>>) dst(%arg5 : memref<2x128xi32, #tpu.memory_space<vmem>>)
      tpu.yield
    }) : () -> ()
    %dma_start3A = arith.constant 0 : i32
    %dma_start3A_15 = arith.constant 0 : i32
    %dma_start3A_16 = tpu.memref_slice %arg5[%dma_start3A, %dma_start3A_15] : memref<2x128xi32, #tpu.memory_space<vmem>> -> memref<1x128xi32, #tpu.memory_space<vmem>>
    %dma_start3A_17 = tpu.memref_squeeze %dma_start3A_16 : memref<1x128xi32, #tpu.memory_space<vmem>> -> memref<128xi32, #tpu.memory_space<vmem>>
    %dma_start3A_18 = arith.constant 0 : i32
    %dma_start3A_19 = arith.constant 0 : i32
    %dma_start3A_20 = tpu.memref_slice %arg2[%dma_start3A_18, %dma_start3A_19] : memref<10000x128xf32, #tpu.memory_space<hbm>> -> memref<10000x128xf32, #tpu.memory_space<hbm>>
    tpu.enqueue_indirect_dma source(%dma_start3A_20 : memref<10000x128xf32, #tpu.memory_space<hbm>>) target(%arg7 : memref<128x128xf32, #tpu.memory_space<vmem>>) offsets(%dma_start3A_17 : memref<128xi32, #tpu.memory_space<vmem>>) semaphore(%arg10 : memref<!tpu.dma_semaphore, #tpu.memory_space<semaphore_mem>>)
    %add3A_21 = arith.constant 32 : i32
    %add3A_22 = arith.addi %add3A, %add3A_21 : i32
    %mul3A_23 = arith.constant 128 : i32
    %mul3A_24 = arith.muli %add3A_22, %mul3A_23 : i32
    %multiple_of3A_25 = tpu.assume_multiple %mul3A_24, 128 : i32
    "tpu.region"() ({
      %run_scoped3A = tpu.sem_alloc : memref<!tpu.dma_semaphore, #tpu.memory_space<semaphore_mem>>
      %dma_start3A_43 = arith.constant 0 : i32
      %dma_start3A_44 = tpu.memref_slice %arg3[%dma_start3A_43, %multiple_of3A_25] : memref<2x320000xi32, #tpu.memory_space<hbm>> -> memref<2x128xi32, #tpu.memory_space<hbm>>
      %dma_start3A_45 = arith.constant 0 : i32
      %dma_start3A_46 = tpu.memref_slice %arg3[%dma_start3A_45, %multiple_of3A_25] : memref<2x320000xi32, #tpu.memory_space<hbm>> -> memref<2x128xi32, #tpu.memory_space<hbm>>
      tpu.enqueue_dma source(%dma_start3A_46 : memref<2x128xi32, #tpu.memory_space<hbm>>) target(%arg6 : memref<2x128xi32, #tpu.memory_space<vmem>>) target_semaphore(%run_scoped3A : memref<!tpu.dma_semaphore, #tpu.memory_space<semaphore_mem>>)
      %dma_wait3A = arith.constant 0 : i32
      %dma_wait3A_47 = tpu.memref_slice %arg3[%dma_wait3A, %multiple_of3A_25] : memref<2x320000xi32, #tpu.memory_space<hbm>> -> memref<2x128xi32, #tpu.memory_space<hbm>>
      %dma_wait3A_48 = arith.constant 0 : i32
      %dma_wait3A_49 = tpu.memref_slice %arg3[%dma_wait3A_48, %multiple_of3A_25] : memref<2x320000xi32, #tpu.memory_space<hbm>> -> memref<2x128xi32, #tpu.memory_space<hbm>>
      tpu.wait_dma2 semaphore(%run_scoped3A : memref<!tpu.dma_semaphore, #tpu.memory_space<semaphore_mem>>) src(%dma_wait3A_49 : memref<2x128xi32, #tpu.memory_space<hbm>>) dst(%arg6 : memref<2x128xi32, #tpu.memory_space<vmem>>)
      tpu.yield
    }) : () -> ()
    %dma_start3A_26 = arith.constant 0 : i32
    %dma_start3A_27 = arith.constant 0 : i32
    %dma_start3A_28 = tpu.memref_slice %arg6[%dma_start3A_26, %dma_start3A_27] : memref<2x128xi32, #tpu.memory_space<vmem>> -> memref<1x128xi32, #tpu.memory_space<vmem>>
    %dma_start3A_29 = tpu.memref_squeeze %dma_start3A_28 : memref<1x128xi32, #tpu.memory_space<vmem>> -> memref<128xi32, #tpu.memory_space<vmem>>
    %dma_start3A_30 = arith.constant 0 : i32
    %dma_start3A_31 = arith.constant 0 : i32
    %dma_start3A_32 = tpu.memref_slice %arg2[%dma_start3A_30, %dma_start3A_31] : memref<10000x128xf32, #tpu.memory_space<hbm>> -> memref<10000x128xf32, #tpu.memory_space<hbm>>
    tpu.enqueue_indirect_dma source(%dma_start3A_32 : memref<10000x128xf32, #tpu.memory_space<hbm>>) target(%arg8 : memref<128x128xf32, #tpu.memory_space<vmem>>) offsets(%dma_start3A_29 : memref<128xi32, #tpu.memory_space<vmem>>) semaphore(%arg11 : memref<!tpu.dma_semaphore, #tpu.memory_space<semaphore_mem>>)
    %scan3A_33 = arith.constant 0 : i32
    %scan3A_34 = arith.constant 40 : i32
    %scan3A_35 = arith.addi %scan3A_33, %scan3A_34 : i32
    %scan3A_36 = arith.constant 1 : i32
    scf.for %scan3A_43 = %scan3A_33 to %scan3A_35 step %scan3A_36  : i32 {
      %mul3A_44 = arith.constant 1 : i32
      %mul3A_45 = arith.muli %scan3A_43, %mul3A_44 : i32
      %add3A_46 = arith.constant 0 : i32
      %add3A_47 = arith.addi %add3A_46, %mul3A_45 : i32
      %mul3A_48 = arith.constant 2 : i32
      %mul3A_49 = arith.muli %mul3A_48, %add3A_47 : i32
      %mul3A_50 = arith.constant 32 : i32
      %mul3A_51 = arith.muli %mul3A_49, %mul3A_50 : i32
      %add3A_52 = arith.addi %add3A, %mul3A_51 : i32
      %lt3A = arith.constant 2500 : i32
      %lt3A_53 = arith.cmpi slt, %add3A_52, %lt3A : i32
      %convert_element_type3A = arith.extui %lt3A_53 : i1 to i32
      %cond3A = arith.constant 0 : i32
      %cond3A_54 = arith.cmpi ne, %convert_element_type3A, %cond3A : i32
      scf.if %cond3A_54 {
        %dma_wait3A = arith.constant 0 : i32
        %dma_wait3A_62 = arith.constant 0 : i32
        %dma_wait3A_63 = tpu.memref_slice %arg5[%dma_wait3A, %dma_wait3A_62] : memref<2x128xi32, #tpu.memory_space<vmem>> -> memref<1x128xi32, #tpu.memory_space<vmem>>
        %dma_wait3A_64 = tpu.memref_squeeze %dma_wait3A_63 : memref<1x128xi32, #tpu.memory_space<vmem>> -> memref<128xi32, #tpu.memory_space<vmem>>
        %dma_wait3A_65 = arith.constant 0 : i32
        %dma_wait3A_66 = arith.constant 0 : i32
        %dma_wait3A_67 = tpu.memref_slice %arg2[%dma_wait3A_65, %dma_wait3A_66] : memref<10000x128xf32, #tpu.memory_space<hbm>> -> memref<10000x128xf32, #tpu.memory_space<hbm>>
        tpu.wait_indirect_dma semaphore(%arg10 : memref<!tpu.dma_semaphore, #tpu.memory_space<semaphore_mem>>) src(%dma_wait3A_67 : memref<10000x128xf32, #tpu.memory_space<hbm>>) dst(%arg7 : memref<128x128xf32, #tpu.memory_space<vmem>>)
        %run_scoped3A = arith.constant 1 : i32
        "tpu.region"() ({
          %run_scoped3A_75 = tpu.sem_alloc : memref<!tpu.dma_semaphore, #tpu.memory_space<semaphore_mem>>
          %dma_start3A_76 = arith.constant 0 : i32
          %dma_start3A_77 = tpu.memref_slice %arg5[%run_scoped3A, %dma_start3A_76] : memref<2x128xi32, #tpu.memory_space<vmem>> -> memref<1x128xi32, #tpu.memory_space<vmem>>
          %dma_start3A_78 = tpu.memref_squeeze %dma_start3A_77 : memref<1x128xi32, #tpu.memory_space<vmem>> -> memref<128xi32, #tpu.memory_space<vmem>>
          %dma_start3A_79 = arith.constant 0 : i32
          %dma_start3A_80 = arith.constant 0 : i32
          %dma_start3A_81 = tpu.memref_slice %arg9[%dma_start3A_79, %dma_start3A_80] : memref<10240x128xf32, #tpu.memory_space<vmem_shared>> -> memref<10240x128xf32, #tpu.memory_space<vmem_shared>>
          tpu.enqueue_indirect_dma source(%arg7 : memref<128x128xf32, #tpu.memory_space<vmem>>) target(%dma_start3A_81 : memref<10240x128xf32, #tpu.memory_space<vmem_shared>>) offsets(%dma_start3A_78 : memref<128xi32, #tpu.memory_space<vmem>>) semaphore(%run_scoped3A_75 : memref<!tpu.dma_semaphore, #tpu.memory_space<semaphore_mem>>) {add = true}
          %dma_wait3A_82 = arith.constant 0 : i32
          %dma_wait3A_83 = tpu.memref_slice %arg5[%run_scoped3A, %dma_wait3A_82] : memref<2x128xi32, #tpu.memory_space<vmem>> -> memref<1x128xi32, #tpu.memory_space<vmem>>
          %dma_wait3A_84 = tpu.memref_squeeze %dma_wait3A_83 : memref<1x128xi32, #tpu.memory_space<vmem>> -> memref<128xi32, #tpu.memory_space<vmem>>
          %dma_wait3A_85 = arith.constant 0 : i32
          %dma_wait3A_86 = arith.constant 0 : i32
          %dma_wait3A_87 = tpu.memref_slice %arg9[%dma_wait3A_85, %dma_wait3A_86] : memref<10240x128xf32, #tpu.memory_space<vmem_shared>> -> memref<10240x128xf32, #tpu.memory_space<vmem_shared>>
          tpu.wait_indirect_dma semaphore(%run_scoped3A_75 : memref<!tpu.dma_semaphore, #tpu.memory_space<semaphore_mem>>) src(%arg7 : memref<128x128xf32, #tpu.memory_space<vmem>>) dst(%dma_wait3A_87 : memref<10240x128xf32, #tpu.memory_space<vmem_shared>>)
          tpu.yield
        }) : () -> ()
        %add3A_68 = arith.constant 64 : i32
        %add3A_69 = arith.addi %add3A_52, %add3A_68 : i32
        %lt3A_70 = arith.constant 2500 : i32
        %lt3A_71 = arith.cmpi slt, %add3A_69, %lt3A_70 : i32
        %convert_element_type3A_72 = arith.extui %lt3A_71 : i1 to i32
        %cond3A_73 = arith.constant 0 : i32
        %cond3A_74 = arith.cmpi ne, %convert_element_type3A_72, %cond3A_73 : i32
        scf.if %cond3A_74 {
          %mul3A_75 = arith.constant 128 : i32
          %mul3A_76 = arith.muli %add3A_69, %mul3A_75 : i32
          %multiple_of3A_77 = tpu.assume_multiple %mul3A_76, 128 : i32
          "tpu.region"() ({
            %run_scoped3A_85 = tpu.sem_alloc : memref<!tpu.dma_semaphore, #tpu.memory_space<semaphore_mem>>
            %dma_start3A_86 = arith.constant 0 : i32
            %dma_start3A_87 = tpu.memref_slice %arg3[%dma_start3A_86, %multiple_of3A_77] : memref<2x320000xi32, #tpu.memory_space<hbm>> -> memref<2x128xi32, #tpu.memory_space<hbm>>
            %dma_start3A_88 = arith.constant 0 : i32
            %dma_start3A_89 = tpu.memref_slice %arg3[%dma_start3A_88, %multiple_of3A_77] : memref<2x320000xi32, #tpu.memory_space<hbm>> -> memref<2x128xi32, #tpu.memory_space<hbm>>
            tpu.enqueue_dma source(%dma_start3A_89 : memref<2x128xi32, #tpu.memory_space<hbm>>) target(%arg5 : memref<2x128xi32, #tpu.memory_space<vmem>>) target_semaphore(%run_scoped3A_85 : memref<!tpu.dma_semaphore, #tpu.memory_space<semaphore_mem>>)
            %dma_wait3A_90 = arith.constant 0 : i32
            %dma_wait3A_91 = tpu.memref_slice %arg3[%dma_wait3A_90, %multiple_of3A_77] : memref<2x320000xi32, #tpu.memory_space<hbm>> -> memref<2x128xi32, #tpu.memory_space<hbm>>
            %dma_wait3A_92 = arith.constant 0 : i32
            %dma_wait3A_93 = tpu.memref_slice %arg3[%dma_wait3A_92, %multiple_of3A_77] : memref<2x320000xi32, #tpu.memory_space<hbm>> -> memref<2x128xi32, #tpu.memory_space<hbm>>
            tpu.wait_dma2 semaphore(%run_scoped3A_85 : memref<!tpu.dma_semaphore, #tpu.memory_space<semaphore_mem>>) src(%dma_wait3A_93 : memref<2x128xi32, #tpu.memory_space<hbm>>) dst(%arg5 : memref<2x128xi32, #tpu.memory_space<vmem>>)
            tpu.yield
          }) : () -> ()
          %dma_start3A_78 = arith.constant 0 : i32
          %dma_start3A_79 = arith.constant 0 : i32
          %dma_start3A_80 = tpu.memref_slice %arg5[%dma_start3A_78, %dma_start3A_79] : memref<2x128xi32, #tpu.memory_space<vmem>> -> memref<1x128xi32, #tpu.memory_space<vmem>>
          %dma_start3A_81 = tpu.memref_squeeze %dma_start3A_80 : memref<1x128xi32, #tpu.memory_space<vmem>> -> memref<128xi32, #tpu.memory_space<vmem>>
          %dma_start3A_82 = arith.constant 0 : i32
          %dma_start3A_83 = arith.constant 0 : i32
          %dma_start3A_84 = tpu.memref_slice %arg2[%dma_start3A_82, %dma_start3A_83] : memref<10000x128xf32, #tpu.memory_space<hbm>> -> memref<10000x128xf32, #tpu.memory_space<hbm>>
          tpu.enqueue_indirect_dma source(%dma_start3A_84 : memref<10000x128xf32, #tpu.memory_space<hbm>>) target(%arg7 : memref<128x128xf32, #tpu.memory_space<vmem>>) offsets(%dma_start3A_81 : memref<128xi32, #tpu.memory_space<vmem>>) semaphore(%arg10 : memref<!tpu.dma_semaphore, #tpu.memory_space<semaphore_mem>>)
        } else {
        }
      } else {
      }
      %add3A_55 = arith.constant 32 : i32
      %add3A_56 = arith.addi %add3A_52, %add3A_55 : i32
      %lt3A_57 = arith.constant 2500 : i32
      %lt3A_58 = arith.cmpi slt, %add3A_56, %lt3A_57 : i32
      %convert_element_type3A_59 = arith.extui %lt3A_58 : i1 to i32
      %cond3A_60 = arith.constant 0 : i32
      %cond3A_61 = arith.cmpi ne, %convert_element_type3A_59, %cond3A_60 : i32
      scf.if %cond3A_61 {
        %dma_wait3A = arith.constant 0 : i32
        %dma_wait3A_62 = arith.constant 0 : i32
        %dma_wait3A_63 = tpu.memref_slice %arg6[%dma_wait3A, %dma_wait3A_62] : memref<2x128xi32, #tpu.memory_space<vmem>> -> memref<1x128xi32, #tpu.memory_space<vmem>>
        %dma_wait3A_64 = tpu.memref_squeeze %dma_wait3A_63 : memref<1x128xi32, #tpu.memory_space<vmem>> -> memref<128xi32, #tpu.memory_space<vmem>>
        %dma_wait3A_65 = arith.constant 0 : i32
        %dma_wait3A_66 = arith.constant 0 : i32
        %dma_wait3A_67 = tpu.memref_slice %arg2[%dma_wait3A_65, %dma_wait3A_66] : memref<10000x128xf32, #tpu.memory_space<hbm>> -> memref<10000x128xf32, #tpu.memory_space<hbm>>
        tpu.wait_indirect_dma semaphore(%arg11 : memref<!tpu.dma_semaphore, #tpu.memory_space<semaphore_mem>>) src(%dma_wait3A_67 : memref<10000x128xf32, #tpu.memory_space<hbm>>) dst(%arg8 : memref<128x128xf32, #tpu.memory_space<vmem>>)
        %run_scoped3A = arith.constant 1 : i32
        "tpu.region"() ({
          %run_scoped3A_75 = tpu.sem_alloc : memref<!tpu.dma_semaphore, #tpu.memory_space<semaphore_mem>>
          %dma_start3A_76 = arith.constant 0 : i32
          %dma_start3A_77 = tpu.memref_slice %arg6[%run_scoped3A, %dma_start3A_76] : memref<2x128xi32, #tpu.memory_space<vmem>> -> memref<1x128xi32, #tpu.memory_space<vmem>>
          %dma_start3A_78 = tpu.memref_squeeze %dma_start3A_77 : memref<1x128xi32, #tpu.memory_space<vmem>> -> memref<128xi32, #tpu.memory_space<vmem>>
          %dma_start3A_79 = arith.constant 0 : i32
          %dma_start3A_80 = arith.constant 0 : i32
          %dma_start3A_81 = tpu.memref_slice %arg9[%dma_start3A_79, %dma_start3A_80] : memref<10240x128xf32, #tpu.memory_space<vmem_shared>> -> memref<10240x128xf32, #tpu.memory_space<vmem_shared>>
          tpu.enqueue_indirect_dma source(%arg8 : memref<128x128xf32, #tpu.memory_space<vmem>>) target(%dma_start3A_81 : memref<10240x128xf32, #tpu.memory_space<vmem_shared>>) offsets(%dma_start3A_78 : memref<128xi32, #tpu.memory_space<vmem>>) semaphore(%run_scoped3A_75 : memref<!tpu.dma_semaphore, #tpu.memory_space<semaphore_mem>>) {add = true}
          %dma_wait3A_82 = arith.constant 0 : i32
          %dma_wait3A_83 = tpu.memref_slice %arg6[%run_scoped3A, %dma_wait3A_82] : memref<2x128xi32, #tpu.memory_space<vmem>> -> memref<1x128xi32, #tpu.memory_space<vmem>>
          %dma_wait3A_84 = tpu.memref_squeeze %dma_wait3A_83 : memref<1x128xi32, #tpu.memory_space<vmem>> -> memref<128xi32, #tpu.memory_space<vmem>>
          %dma_wait3A_85 = arith.constant 0 : i32
          %dma_wait3A_86 = arith.constant 0 : i32
          %dma_wait3A_87 = tpu.memref_slice %arg9[%dma_wait3A_85, %dma_wait3A_86] : memref<10240x128xf32, #tpu.memory_space<vmem_shared>> -> memref<10240x128xf32, #tpu.memory_space<vmem_shared>>
          tpu.wait_indirect_dma semaphore(%run_scoped3A_75 : memref<!tpu.dma_semaphore, #tpu.memory_space<semaphore_mem>>) src(%arg8 : memref<128x128xf32, #tpu.memory_space<vmem>>) dst(%dma_wait3A_87 : memref<10240x128xf32, #tpu.memory_space<vmem_shared>>)
          tpu.yield
        }) : () -> ()
        %add3A_68 = arith.constant 64 : i32
        %add3A_69 = arith.addi %add3A_56, %add3A_68 : i32
        %lt3A_70 = arith.constant 2500 : i32
        %lt3A_71 = arith.cmpi slt, %add3A_69, %lt3A_70 : i32
        %convert_element_type3A_72 = arith.extui %lt3A_71 : i1 to i32
        %cond3A_73 = arith.constant 0 : i32
        %cond3A_74 = arith.cmpi ne, %convert_element_type3A_72, %cond3A_73 : i32
        scf.if %cond3A_74 {
          %mul3A_75 = arith.constant 128 : i32
          %mul3A_76 = arith.muli %add3A_69, %mul3A_75 : i32
          %multiple_of3A_77 = tpu.assume_multiple %mul3A_76, 128 : i32
          "tpu.region"() ({
            %run_scoped3A_85 = tpu.sem_alloc : memref<!tpu.dma_semaphore, #tpu.memory_space<semaphore_mem>>
            %dma_start3A_86 = arith.constant 0 : i32
            %dma_start3A_87 = tpu.memref_slice %arg3[%dma_start3A_86, %multiple_of3A_77] : memref<2x320000xi32, #tpu.memory_space<hbm>> -> memref<2x128xi32, #tpu.memory_space<hbm>>
            %dma_start3A_88 = arith.constant 0 : i32
            %dma_start3A_89 = tpu.memref_slice %arg3[%dma_start3A_88, %multiple_of3A_77] : memref<2x320000xi32, #tpu.memory_space<hbm>> -> memref<2x128xi32, #tpu.memory_space<hbm>>
            tpu.enqueue_dma source(%dma_start3A_89 : memref<2x128xi32, #tpu.memory_space<hbm>>) target(%arg6 : memref<2x128xi32, #tpu.memory_space<vmem>>) target_semaphore(%run_scoped3A_85 : memref<!tpu.dma_semaphore, #tpu.memory_space<semaphore_mem>>)
            %dma_wait3A_90 = arith.constant 0 : i32
            %dma_wait3A_91 = tpu.memref_slice %arg3[%dma_wait3A_90, %multiple_of3A_77] : memref<2x320000xi32, #tpu.memory_space<hbm>> -> memref<2x128xi32, #tpu.memory_space<hbm>>
            %dma_wait3A_92 = arith.constant 0 : i32
            %dma_wait3A_93 = tpu.memref_slice %arg3[%dma_wait3A_92, %multiple_of3A_77] : memref<2x320000xi32, #tpu.memory_space<hbm>> -> memref<2x128xi32, #tpu.memory_space<hbm>>
            tpu.wait_dma2 semaphore(%run_scoped3A_85 : memref<!tpu.dma_semaphore, #tpu.memory_space<semaphore_mem>>) src(%dma_wait3A_93 : memref<2x128xi32, #tpu.memory_space<hbm>>) dst(%arg6 : memref<2x128xi32, #tpu.memory_space<vmem>>)
            tpu.yield
          }) : () -> ()
          %dma_start3A_78 = arith.constant 0 : i32
          %dma_start3A_79 = arith.constant 0 : i32
          %dma_start3A_80 = tpu.memref_slice %arg6[%dma_start3A_78, %dma_start3A_79] : memref<2x128xi32, #tpu.memory_space<vmem>> -> memref<1x128xi32, #tpu.memory_space<vmem>>
          %dma_start3A_81 = tpu.memref_squeeze %dma_start3A_80 : memref<1x128xi32, #tpu.memory_space<vmem>> -> memref<128xi32, #tpu.memory_space<vmem>>
          %dma_start3A_82 = arith.constant 0 : i32
          %dma_start3A_83 = arith.constant 0 : i32
          %dma_start3A_84 = tpu.memref_slice %arg2[%dma_start3A_82, %dma_start3A_83] : memref<10000x128xf32, #tpu.memory_space<hbm>> -> memref<10000x128xf32, #tpu.memory_space<hbm>>
          tpu.enqueue_indirect_dma source(%dma_start3A_84 : memref<10000x128xf32, #tpu.memory_space<hbm>>) target(%arg8 : memref<128x128xf32, #tpu.memory_space<vmem>>) offsets(%dma_start3A_81 : memref<128xi32, #tpu.memory_space<vmem>>) semaphore(%arg11 : memref<!tpu.dma_semaphore, #tpu.memory_space<semaphore_mem>>)
        } else {
        }
      } else {
      }
    }
    %scan3A_37 = arith.constant 40 : i32
    %barrier3A_38 = arith.constant 0 : index
    tpu.barrier barrier_id(%barrier3A_38)
    %mul3A_39 = arith.constant 10240 : i32
    %mul3A_40 = arith.muli %arg0, %mul3A_39 : i32
    %add3A_41 = arith.addi %mul3A_40, %mul3A_2 : i32
    %multiple_of3A_42 = tpu.assume_multiple %add3A_41, 128 : i32
    "tpu.region"() ({
      %run_scoped3A = tpu.sem_alloc : memref<!tpu.dma_semaphore, #tpu.memory_space<semaphore_mem>>
      %dma_start3A_43 = arith.constant 0 : i32
      %dma_start3A_44 = tpu.memref_slice %arg4[%multiple_of3A_42, %dma_start3A_43] : memref<20480x128xf32, #tpu.memory_space<hbm>> -> memref<640x128xf32, #tpu.memory_space<hbm>>
      %dma_start3A_45 = arith.constant 0 : i32
      %dma_start3A_46 = tpu.memref_slice %arg9[%mul3A_2, %dma_start3A_45] : memref<10240x128xf32, #tpu.memory_space<vmem_shared>> -> memref<640x128xf32, #tpu.memory_space<vmem_shared>>
      tpu.enqueue_dma source(%dma_start3A_46 : memref<640x128xf32, #tpu.memory_space<vmem_shared>>) target(%dma_start3A_44 : memref<640x128xf32, #tpu.memory_space<hbm>>) target_semaphore(%run_scoped3A : memref<!tpu.dma_semaphore, #tpu.memory_space<semaphore_mem>>)
      %dma_wait3A = arith.constant 0 : i32
      %dma_wait3A_47 = tpu.memref_slice %arg4[%multiple_of3A_42, %dma_wait3A] : memref<20480x128xf32, #tpu.memory_space<hbm>> -> memref<640x128xf32, #tpu.memory_space<hbm>>
      %dma_wait3A_48 = arith.constant 0 : i32
      %dma_wait3A_49 = tpu.memref_slice %arg9[%mul3A_2, %dma_wait3A_48] : memref<10240x128xf32, #tpu.memory_space<vmem_shared>> -> memref<640x128xf32, #tpu.memory_space<vmem_shared>>
      tpu.wait_dma2 semaphore(%run_scoped3A : memref<!tpu.dma_semaphore, #tpu.memory_space<semaphore_mem>>) src(%dma_wait3A_49 : memref<640x128xf32, #tpu.memory_space<vmem_shared>>) dst(%dma_wait3A_47 : memref<640x128xf32, #tpu.memory_space<hbm>>)
      tpu.yield
    }) : () -> ()
    return
  }
}

#map = affine_map<(d0, d1) -> (0, 0)>
module attributes {stable_mosaic.version = 14 : i64} {
  func.func @body(%arg0: i32, %arg1: i32, %arg2: memref<10000x128xf32, #tpu.memory_space<hbm>>, %arg3: memref<2x320000xi32, #tpu.memory_space<hbm>>, %arg4: memref<20480x128xf32, #tpu.memory_space<hbm>>, %arg5: memref<2x128xi32, #tpu.memory_space<vmem>>, %arg6: memref<2x128xi32, #tpu.memory_space<vmem>>, %arg7: memref<128x128xf32, #tpu.memory_space<vmem>>, %arg8: memref<128x128xf32, #tpu.memory_space<vmem>>, %arg9: memref<10240x128xf32, #tpu.memory_space<vmem_shared>>, %arg10: memref<!tpu.dma_semaphore, #tpu.memory_space<semaphore_mem>>, %arg11: memref<!tpu.dma_semaphore, #tpu.memory_space<semaphore_mem>>) attributes {dimension_semantics = [#tpu.dimension_semantics<core_parallel>, #tpu.dimension_semantics<subcore_parallel>], iteration_bounds = array<i64: 2, 16>, scalar_prefetch = 0 : i64, scratch_operands = 7 : i64, tpu.core_type = #tpu.core_type<sc_vector_subcore>, window_params = [{transform_indices = #map}, {transform_indices = #map}, {transform_indices = #map}]} {
    %mul3A = arith.constant 16 : i32
    %mul3A_0 = arith.muli %arg0, %mul3A : i32
    %add3A = arith.addi %mul3A_0, %arg1 : i32
    %mul3A_1 = arith.constant 640 : i32
    %mul3A_2 = arith.muli %arg1, %mul3A_1 : i32
    %broadcast_in_dim3A = arith.constant 0.000000e+00 : f32
    %broadcast_in_dim3A_3 = vector.broadcast %broadcast_in_dim3A : f32 to vector<16xf32>
    %scan3A = arith.constant 0 : i32
    %scan3A_4 = arith.constant 128 : i32
    %scan3A_5 = arith.addi %scan3A, %scan3A_4 : i32
    %scan3A_6 = arith.constant 1 : i32
    scf.for %scan3A_43 = %scan3A to %scan3A_5 step %scan3A_6  : i32 {
      %mul3A_44 = arith.constant 1 : i32
      %mul3A_45 = arith.muli %scan3A_43, %mul3A_44 : i32
      %add3A_46 = arith.constant 0 : i32
      %add3A_47 = arith.addi %add3A_46, %mul3A_45 : i32
      %scan3A_48 = arith.constant 0 : i32
      %scan3A_49 = arith.constant 8 : i32
      %scan3A_50 = arith.addi %scan3A_48, %scan3A_49 : i32
      %scan3A_51 = arith.constant 1 : i32
      scf.for %scan3A_53 = %scan3A_48 to %scan3A_50 step %scan3A_51  : i32 {
        %mul3A_54 = arith.constant 1 : i32
        %mul3A_55 = arith.muli %scan3A_53, %mul3A_54 : i32
        %add3A_56 = arith.constant 0 : i32
        %add3A_57 = arith.addi %add3A_56, %mul3A_55 : i32
        %mul3A_58 = arith.constant 16 : i32
        %mul3A_59 = arith.muli %add3A_57, %mul3A_58 : i32
        %swap3A = arith.index_cast %add3A_47 : i32 to index
        %swap3A_60 = arith.index_cast %mul3A_59 : i32 to index
        %swap3A_61 = tpu.vector_load %arg7[%swap3A, %swap3A_60] {strides = array<i32>} : memref<128x128xf32, #tpu.memory_space<vmem>>, vector<1x16xf32>,
        %swap3A_62 = vector.shape_cast %swap3A_61 : vector<1x16xf32> to vector<16xf32>
        %swap3A_63 = vector.shape_cast %broadcast_in_dim3A_3 : vector<16xf32> to vector<1x16xf32>
        tpu.vector_store %arg7[%swap3A, %swap3A_60], %swap3A_63 {strides = array<i32>} : memref<128x128xf32, #tpu.memory_space<vmem>>, vector<1x16xf32>,
      }
      %scan3A_52 = arith.constant 8 : i32
    }
    %scan3A_7 = arith.constant 128 : i32
    %scan3A_8 = arith.constant 0 : i32
    %scan3A_9 = arith.constant 5 : i32
    %scan3A_10 = arith.addi %scan3A_8, %scan3A_9 : i32
    %scan3A_11 = arith.constant 1 : i32
    scf.for %scan3A_43 = %scan3A_8 to %scan3A_10 step %scan3A_11  : i32 {
      %mul3A_44 = arith.constant 1 : i32
      %mul3A_45 = arith.muli %scan3A_43, %mul3A_44 : i32
      %add3A_46 = arith.constant 0 : i32
      %add3A_47 = arith.addi %add3A_46, %mul3A_45 : i32
      %mul3A_48 = arith.constant 128 : i32
      %mul3A_49 = arith.muli %add3A_47, %mul3A_48 : i32
      %add3A_50 = arith.addi %mul3A_2, %mul3A_49 : i32
      %multiple_of3A_51 = tpu.assume_multiple %add3A_50, 128 : i32
      "tpu.region"() ({
        %run_scoped3A = tpu.sem_alloc : memref<!tpu.dma_semaphore, #tpu.memory_space<semaphore_mem>>
        %dma_start3A_52 = arith.constant 0 : i32
        %dma_start3A_53 = tpu.memref_slice %arg9[%multiple_of3A_51, %dma_start3A_52] : memref<10240x128xf32, #tpu.memory_space<vmem_shared>> -> memref<128x128xf32, #tpu.memory_space<vmem_shared>>
        %dma_start3A_54 = arith.constant 0 : i32
        %dma_start3A_55 = tpu.memref_slice %arg9[%multiple_of3A_51, %dma_start3A_54] : memref<10240x128xf32, #tpu.memory_space<vmem_shared>> -> memref<128x128xf32, #tpu.memory_space<vmem_shared>>
        tpu.enqueue_dma source(%arg7 : memref<128x128xf32, #tpu.memory_space<vmem>>) target(%dma_start3A_55 : memref<128x128xf32, #tpu.memory_space<vmem_shared>>) target_semaphore(%run_scoped3A : memref<!tpu.dma_semaphore, #tpu.memory_space<semaphore_mem>>)
        %dma_wait3A = arith.constant 0 : i32
        %dma_wait3A_56 = tpu.memref_slice %arg9[%multiple_of3A_51, %dma_wait3A] : memref<10240x128xf32, #tpu.memory_space<vmem_shared>> -> memref<128x128xf32, #tpu.memory_space<vmem_shared>>
        %dma_wait3A_57 = arith.constant 0 : i32
        %dma_wait3A_58 = tpu.memref_slice %arg9[%multiple_of3A_51, %dma_wait3A_57] : memref<10240x128xf32, #tpu.memory_space<vmem_shared>> -> memref<128x128xf32, #tpu.memory_space<vmem_shared>>
        tpu.wait_dma2 semaphore(%run_scoped3A : memref<!tpu.dma_semaphore, #tpu.memory_space<semaphore_mem>>) src(%arg7 : memref<128x128xf32, #tpu.memory_space<vmem>>) dst(%dma_wait3A_58 : memref<128x128xf32, #tpu.memory_space<vmem_shared>>)
        tpu.yield
      }) : () -> ()
    }
    %scan3A_12 = arith.constant 5 : i32
    %barrier3A = arith.constant 0 : index
    tpu.barrier barrier_id(%barrier3A)
    %mul3A_13 = arith.constant 128 : i32
    %mul3A_14 = arith.muli %add3A, %mul3A_13 : i32
    %multiple_of3A = tpu.assume_multiple %mul3A_14, 128 : i32
    "tpu.region"() ({
      %run_scoped3A = tpu.sem_alloc : memref<!tpu.dma_semaphore, #tpu.memory_space<semaphore_mem>>
      %dma_start3A_43 = arith.constant 0 : i32
      %dma_start3A_44 = tpu.memref_slice %arg3[%dma_start3A_43, %multiple_of3A] : memref<2x320000xi32, #tpu.memory_space<hbm>> -> memref<2x128xi32, #tpu.memory_space<hbm>>
      %dma_start3A_45 = arith.constant 0 : i32
      %dma_start3A_46 = tpu.memref_slice %arg3[%dma_start3A_45, %multiple_of3A] : memref<2x320000xi32, #tpu.memory_space<hbm>> -> memref<2x128xi32, #tpu.memory_space<hbm>>
      tpu.enqueue_dma source(%dma_start3A_46 : memref<2x128xi32, #tpu.memory_space<hbm>>) target(%arg5 : memref<2x128xi32, #tpu.memory_space<vmem>>) target_semaphore(%run_scoped3A : memref<!tpu.dma_semaphore, #tpu.memory_space<semaphore_mem>>)
      %dma_wait3A = arith.constant 0 : i32
      %dma_wait3A_47 = tpu.memref_slice %arg3[%dma_wait3A, %multiple_of3A] : memref<2x320000xi32, #tpu.memory_space<hbm>> -> memref<2x128xi32, #tpu.memory_space<hbm>>
      %dma_wait3A_48 = arith.constant 0 : i32
      %dma_wait3A_49 = tpu.memref_slice %arg3[%dma_wait3A_48, %multiple_of3A] : memref<2x320000xi32, #tpu.memory_space<hbm>> -> memref<2x128xi32, #tpu.memory_space<hbm>>
      tpu.wait_dma2 semaphore(%run_scoped3A : memref<!tpu.dma_semaphore, #tpu.memory_space<semaphore_mem>>) src(%dma_wait3A_49 : memref<2x128xi32, #tpu.memory_space<hbm>>) dst(%arg5 : memref<2x128xi32, #tpu.memory_space<vmem>>)
      tpu.yield
    }) : () -> ()
    %dma_start3A = arith.constant 0 : i32
    %dma_start3A_15 = arith.constant 0 : i32
    %dma_start3A_16 = tpu.memref_slice %arg5[%dma_start3A, %dma_start3A_15] : memref<2x128xi32, #tpu.memory_space<vmem>> -> memref<1x128xi32, #tpu.memory_space<vmem>>
    %dma_start3A_17 = tpu.memref_squeeze %dma_start3A_16 : memref<1x128xi32, #tpu.memory_space<vmem>> -> memref<128xi32, #tpu.memory_space<vmem>>
    %dma_start3A_18 = arith.constant 0 : i32
    %dma_start3A_19 = arith.constant 0 : i32
    %dma_start3A_20 = tpu.memref_slice %arg2[%dma_start3A_18, %dma_start3A_19] : memref<10000x128xf32, #tpu.memory_space<hbm>> -> memref<10000x128xf32, #tpu.memory_space<hbm>>
    tpu.enqueue_indirect_dma source(%dma_start3A_20 : memref<10000x128xf32, #tpu.memory_space<hbm>>) target(%arg7 : memref<128x128xf32, #tpu.memory_space<vmem>>) offsets(%dma_start3A_17 : memref<128xi32, #tpu.memory_space<vmem>>) semaphore(%arg10 : memref<!tpu.dma_semaphore, #tpu.memory_space<semaphore_mem>>)
    %add3A_21 = arith.constant 32 : i32
    %add3A_22 = arith.addi %add3A, %add3A_21 : i32
    %mul3A_23 = arith.constant 128 : i32
    %mul3A_24 = arith.muli %add3A_22, %mul3A_23 : i32
    %multiple_of3A_25 = tpu.assume_multiple %mul3A_24, 128 : i32
    "tpu.region"() ({
      %run_scoped3A = tpu.sem_alloc : memref<!tpu.dma_semaphore, #tpu.memory_space<semaphore_mem>>
      %dma_start3A_43 = arith.constant 0 : i32
      %dma_start3A_44 = tpu.memref_slice %arg3[%dma_start3A_43, %multiple_of3A_25] : memref<2x320000xi32, #tpu.memory_space<hbm>> -> memref<2x128xi32, #tpu.memory_space<hbm>>
      %dma_start3A_45 = arith.constant 0 : i32
      %dma_start3A_46 = tpu.memref_slice %arg3[%dma_start3A_45, %multiple_of3A_25] : memref<2x320000xi32, #tpu.memory_space<hbm>> -> memref<2x128xi32, #tpu.memory_space<hbm>>
      tpu.enqueue_dma source(%dma_start3A_46 : memref<2x128xi32, #tpu.memory_space<hbm>>) target(%arg6 : memref<2x128xi32, #tpu.memory_space<vmem>>) target_semaphore(%run_scoped3A : memref<!tpu.dma_semaphore, #tpu.memory_space<semaphore_mem>>)
      %dma_wait3A = arith.constant 0 : i32
      %dma_wait3A_47 = tpu.memref_slice %arg3[%dma_wait3A, %multiple_of3A_25] : memref<2x320000xi32, #tpu.memory_space<hbm>> -> memref<2x128xi32, #tpu.memory_space<hbm>>
      %dma_wait3A_48 = arith.constant 0 : i32
      %dma_wait3A_49 = tpu.memref_slice %arg3[%dma_wait3A_48, %multiple_of3A_25] : memref<2x320000xi32, #tpu.memory_space<hbm>> -> memref<2x128xi32, #tpu.memory_space<hbm>>
      tpu.wait_dma2 semaphore(%run_scoped3A : memref<!tpu.dma_semaphore, #tpu.memory_space<semaphore_mem>>) src(%dma_wait3A_49 : memref<2x128xi32, #tpu.memory_space<hbm>>) dst(%arg6 : memref<2x128xi32, #tpu.memory_space<vmem>>)
      tpu.yield
    }) : () -> ()
    %dma_start3A_26 = arith.constant 0 : i32
    %dma_start3A_27 = arith.constant 0 : i32
    %dma_start3A_28 = tpu.memref_slice %arg6[%dma_start3A_26, %dma_start3A_27] : memref<2x128xi32, #tpu.memory_space<vmem>> -> memref<1x128xi32, #tpu.memory_space<vmem>>
    %dma_start3A_29 = tpu.memref_squeeze %dma_start3A_28 : memref<1x128xi32, #tpu.memory_space<vmem>> -> memref<128xi32, #tpu.memory_space<vmem>>
    %dma_start3A_30 = arith.constant 0 : i32
    %dma_start3A_31 = arith.constant 0 : i32
    %dma_start3A_32 = tpu.memref_slice %arg2[%dma_start3A_30, %dma_start3A_31] : memref<10000x128xf32, #tpu.memory_space<hbm>> -> memref<10000x128xf32, #tpu.memory_space<hbm>>
    tpu.enqueue_indirect_dma source(%dma_start3A_32 : memref<10000x128xf32, #tpu.memory_space<hbm>>) target(%arg8 : memref<128x128xf32, #tpu.memory_space<vmem>>) offsets(%dma_start3A_29 : memref<128xi32, #tpu.memory_space<vmem>>) semaphore(%arg11 : memref<!tpu.dma_semaphore, #tpu.memory_space<semaphore_mem>>)
    %scan3A_33 = arith.constant 0 : i32
    %scan3A_34 = arith.constant 40 : i32
    %scan3A_35 = arith.addi %scan3A_33, %scan3A_34 : i32
    %scan3A_36 = arith.constant 1 : i32
    scf.for %scan3A_43 = %scan3A_33 to %scan3A_35 step %scan3A_36  : i32 {
      %mul3A_44 = arith.constant 1 : i32
      %mul3A_45 = arith.muli %scan3A_43, %mul3A_44 : i32
      %add3A_46 = arith.constant 0 : i32
      %add3A_47 = arith.addi %add3A_46, %mul3A_45 : i32
      %mul3A_48 = arith.constant 2 : i32
      %mul3A_49 = arith.muli %mul3A_48, %add3A_47 : i32
      %mul3A_50 = arith.constant 32 : i32
      %mul3A_51 = arith.muli %mul3A_49, %mul3A_50 : i32
      %add3A_52 = arith.addi %add3A, %mul3A_51 : i32
      %lt3A = arith.constant 2500 : i32
      %lt3A_53 = arith.cmpi slt, %add3A_52, %lt3A : i32
      %convert_element_type3A = arith.extui %lt3A_53 : i1 to i32
      %cond3A = arith.constant 0 : i32
      %cond3A_54 = arith.cmpi ne, %convert_element_type3A, %cond3A : i32
      scf.if %cond3A_54 {
        %dma_wait3A = arith.constant 0 : i32
        %dma_wait3A_62 = arith.constant 0 : i32
        %dma_wait3A_63 = tpu.memref_slice %arg5[%dma_wait3A, %dma_wait3A_62] : memref<2x128xi32, #tpu.memory_space<vmem>> -> memref<1x128xi32, #tpu.memory_space<vmem>>
        %dma_wait3A_64 = tpu.memref_squeeze %dma_wait3A_63 : memref<1x128xi32, #tpu.memory_space<vmem>> -> memref<128xi32, #tpu.memory_space<vmem>>
        %dma_wait3A_65 = arith.constant 0 : i32
        %dma_wait3A_66 = arith.constant 0 : i32
        %dma_wait3A_67 = tpu.memref_slice %arg2[%dma_wait3A_65, %dma_wait3A_66] : memref<10000x128xf32, #tpu.memory_space<hbm>> -> memref<10000x128xf32, #tpu.memory_space<hbm>>
        tpu.wait_indirect_dma semaphore(%arg10 : memref<!tpu.dma_semaphore, #tpu.memory_space<semaphore_mem>>) src(%dma_wait3A_67 : memref<10000x128xf32, #tpu.memory_space<hbm>>) dst(%arg7 : memref<128x128xf32, #tpu.memory_space<vmem>>)
        %run_scoped3A = arith.constant 1 : i32
        "tpu.region"() ({
          %run_scoped3A_75 = tpu.sem_alloc : memref<!tpu.dma_semaphore, #tpu.memory_space<semaphore_mem>>
          %dma_start3A_76 = arith.constant 0 : i32
          %dma_start3A_77 = tpu.memref_slice %arg5[%run_scoped3A, %dma_start3A_76] : memref<2x128xi32, #tpu.memory_space<vmem>> -> memref<1x128xi32, #tpu.memory_space<vmem>>
          %dma_start3A_78 = tpu.memref_squeeze %dma_start3A_77 : memref<1x128xi32, #tpu.memory_space<vmem>> -> memref<128xi32, #tpu.memory_space<vmem>>
          %dma_start3A_79 = arith.constant 0 : i32
          %dma_start3A_80 = arith.constant 0 : i32
          %dma_start3A_81 = tpu.memref_slice %arg9[%dma_start3A_79, %dma_start3A_80] : memref<10240x128xf32, #tpu.memory_space<vmem_shared>> -> memref<10240x128xf32, #tpu.memory_space<vmem_shared>>
          tpu.enqueue_indirect_dma source(%arg7 : memref<128x128xf32, #tpu.memory_space<vmem>>) target(%dma_start3A_81 : memref<10240x128xf32, #tpu.memory_space<vmem_shared>>) offsets(%dma_start3A_78 : memref<128xi32, #tpu.memory_space<vmem>>) semaphore(%run_scoped3A_75 : memref<!tpu.dma_semaphore, #tpu.memory_space<semaphore_mem>>) {add = true}
          %dma_wait3A_82 = arith.constant 0 : i32
          %dma_wait3A_83 = tpu.memref_slice %arg5[%run_scoped3A, %dma_wait3A_82] : memref<2x128xi32, #tpu.memory_space<vmem>> -> memref<1x128xi32, #tpu.memory_space<vmem>>
          %dma_wait3A_84 = tpu.memref_squeeze %dma_wait3A_83 : memref<1x128xi32, #tpu.memory_space<vmem>> -> memref<128xi32, #tpu.memory_space<vmem>>
          %dma_wait3A_85 = arith.constant 0 : i32
          %dma_wait3A_86 = arith.constant 0 : i32
          %dma_wait3A_87 = tpu.memref_slice %arg9[%dma_wait3A_85, %dma_wait3A_86] : memref<10240x128xf32, #tpu.memory_space<vmem_shared>> -> memref<10240x128xf32, #tpu.memory_space<vmem_shared>>
          tpu.wait_indirect_dma semaphore(%run_scoped3A_75 : memref<!tpu.dma_semaphore, #tpu.memory_space<semaphore_mem>>) src(%arg7 : memref<128x128xf32, #tpu.memory_space<vmem>>) dst(%dma_wait3A_87 : memref<10240x128xf32, #tpu.memory_space<vmem_shared>>)
          tpu.yield
        }) : () -> ()
        %add3A_68 = arith.constant 64 : i32
        %add3A_69 = arith.addi %add3A_52, %add3A_68 : i32
        %lt3A_70 = arith.constant 2500 : i32
        %lt3A_71 = arith.cmpi slt, %add3A_69, %lt3A_70 : i32
        %convert_element_type3A_72 = arith.extui %lt3A_71 : i1 to i32
        %cond3A_73 = arith.constant 0 : i32
        %cond3A_74 = arith.cmpi ne, %convert_element_type3A_72, %cond3A_73 : i32
        scf.if %cond3A_74 {
          %mul3A_75 = arith.constant 128 : i32
          %mul3A_76 = arith.muli %add3A_69, %mul3A_75 : i32
          %multiple_of3A_77 = tpu.assume_multiple %mul3A_76, 128 : i32
          "tpu.region"() ({
            %run_scoped3A_85 = tpu.sem_alloc : memref<!tpu.dma_semaphore, #tpu.memory_space<semaphore_mem>>
            %dma_start3A_86 = arith.constant 0 : i32
            %dma_start3A_87 = tpu.memref_slice %arg3[%dma_start3A_86, %multiple_of3A_77] : memref<2x320000xi32, #tpu.memory_space<hbm>> -> memref<2x128xi32, #tpu.memory_space<hbm>>
            %dma_start3A_88 = arith.constant 0 : i32
            %dma_start3A_89 = tpu.memref_slice %arg3[%dma_start3A_88, %multiple_of3A_77] : memref<2x320000xi32, #tpu.memory_space<hbm>> -> memref<2x128xi32, #tpu.memory_space<hbm>>
            tpu.enqueue_dma source(%dma_start3A_89 : memref<2x128xi32, #tpu.memory_space<hbm>>) target(%arg5 : memref<2x128xi32, #tpu.memory_space<vmem>>) target_semaphore(%run_scoped3A_85 : memref<!tpu.dma_semaphore, #tpu.memory_space<semaphore_mem>>)
            %dma_wait3A_90 = arith.constant 0 : i32
            %dma_wait3A_91 = tpu.memref_slice %arg3[%dma_wait3A_90, %multiple_of3A_77] : memref<2x320000xi32, #tpu.memory_space<hbm>> -> memref<2x128xi32, #tpu.memory_space<hbm>>
            %dma_wait3A_92 = arith.constant 0 : i32
            %dma_wait3A_93 = tpu.memref_slice %arg3[%dma_wait3A_92, %multiple_of3A_77] : memref<2x320000xi32, #tpu.memory_space<hbm>> -> memref<2x128xi32, #tpu.memory_space<hbm>>
            tpu.wait_dma2 semaphore(%run_scoped3A_85 : memref<!tpu.dma_semaphore, #tpu.memory_space<semaphore_mem>>) src(%dma_wait3A_93 : memref<2x128xi32, #tpu.memory_space<hbm>>) dst(%arg5 : memref<2x128xi32, #tpu.memory_space<vmem>>)
            tpu.yield
          }) : () -> ()
          %dma_start3A_78 = arith.constant 0 : i32
          %dma_start3A_79 = arith.constant 0 : i32
          %dma_start3A_80 = tpu.memref_slice %arg5[%dma_start3A_78, %dma_start3A_79] : memref<2x128xi32, #tpu.memory_space<vmem>> -> memref<1x128xi32, #tpu.memory_space<vmem>>
          %dma_start3A_81 = tpu.memref_squeeze %dma_start3A_80 : memref<1x128xi32, #tpu.memory_space<vmem>> -> memref<128xi32, #tpu.memory_space<vmem>>
          %dma_start3A_82 = arith.constant 0 : i32
          %dma_start3A_83 = arith.constant 0 : i32
          %dma_start3A_84 = tpu.memref_slice %arg2[%dma_start3A_82, %dma_start3A_83] : memref<10000x128xf32, #tpu.memory_space<hbm>> -> memref<10000x128xf32, #tpu.memory_space<hbm>>
          tpu.enqueue_indirect_dma source(%dma_start3A_84 : memref<10000x128xf32, #tpu.memory_space<hbm>>) target(%arg7 : memref<128x128xf32, #tpu.memory_space<vmem>>) offsets(%dma_start3A_81 : memref<128xi32, #tpu.memory_space<vmem>>) semaphore(%arg10 : memref<!tpu.dma_semaphore, #tpu.memory_space<semaphore_mem>>)
        } else {
        }
      } else {
      }
      %add3A_55 = arith.constant 32 : i32
      %add3A_56 = arith.addi %add3A_52, %add3A_55 : i32
      %lt3A_57 = arith.constant 2500 : i32
      %lt3A_58 = arith.cmpi slt, %add3A_56, %lt3A_57 : i32
      %convert_element_type3A_59 = arith.extui %lt3A_58 : i1 to i32
      %cond3A_60 = arith.constant 0 : i32
      %cond3A_61 = arith.cmpi ne, %convert_element_type3A_59, %cond3A_60 : i32
      scf.if %cond3A_61 {
        %dma_wait3A = arith.constant 0 : i32
        %dma_wait3A_62 = arith.constant 0 : i32
        %dma_wait3A_63 = tpu.memref_slice %arg6[%dma_wait3A, %dma_wait3A_62] : memref<2x128xi32, #tpu.memory_space<vmem>> -> memref<1x128xi32, #tpu.memory_space<vmem>>
        %dma_wait3A_64 = tpu.memref_squeeze %dma_wait3A_63 : memref<1x128xi32, #tpu.memory_space<vmem>> -> memref<128xi32, #tpu.memory_space<vmem>>
        %dma_wait3A_65 = arith.constant 0 : i32
        %dma_wait3A_66 = arith.constant 0 : i32
        %dma_wait3A_67 = tpu.memref_slice %arg2[%dma_wait3A_65, %dma_wait3A_66] : memref<10000x128xf32, #tpu.memory_space<hbm>> -> memref<10000x128xf32, #tpu.memory_space<hbm>>
        tpu.wait_indirect_dma semaphore(%arg11 : memref<!tpu.dma_semaphore, #tpu.memory_space<semaphore_mem>>) src(%dma_wait3A_67 : memref<10000x128xf32, #tpu.memory_space<hbm>>) dst(%arg8 : memref<128x128xf32, #tpu.memory_space<vmem>>)
        %run_scoped3A = arith.constant 1 : i32
        "tpu.region"() ({
          %run_scoped3A_75 = tpu.sem_alloc : memref<!tpu.dma_semaphore, #tpu.memory_space<semaphore_mem>>
          %dma_start3A_76 = arith.constant 0 : i32
          %dma_start3A_77 = tpu.memref_slice %arg6[%run_scoped3A, %dma_start3A_76] : memref<2x128xi32, #tpu.memory_space<vmem>> -> memref<1x128xi32, #tpu.memory_space<vmem>>
          %dma_start3A_78 = tpu.memref_squeeze %dma_start3A_77 : memref<1x128xi32, #tpu.memory_space<vmem>> -> memref<128xi32, #tpu.memory_space<vmem>>
          %dma_start3A_79 = arith.constant 0 : i32
          %dma_start3A_80 = arith.constant 0 : i32
          %dma_start3A_81 = tpu.memref_slice %arg9[%dma_start3A_79, %dma_start3A_80] : memref<10240x128xf32, #tpu.memory_space<vmem_shared>> -> memref<10240x128xf32, #tpu.memory_space<vmem_shared>>
          tpu.enqueue_indirect_dma source(%arg8 : memref<128x128xf32, #tpu.memory_space<vmem>>) target(%dma_start3A_81 : memref<10240x128xf32, #tpu.memory_space<vmem_shared>>) offsets(%dma_start3A_78 : memref<128xi32, #tpu.memory_space<vmem>>) semaphore(%run_scoped3A_75 : memref<!tpu.dma_semaphore, #tpu.memory_space<semaphore_mem>>) {add = true}
          %dma_wait3A_82 = arith.constant 0 : i32
          %dma_wait3A_83 = tpu.memref_slice %arg6[%run_scoped3A, %dma_wait3A_82] : memref<2x128xi32, #tpu.memory_space<vmem>> -> memref<1x128xi32, #tpu.memory_space<vmem>>
          %dma_wait3A_84 = tpu.memref_squeeze %dma_wait3A_83 : memref<1x128xi32, #tpu.memory_space<vmem>> -> memref<128xi32, #tpu.memory_space<vmem>>
          %dma_wait3A_85 = arith.constant 0 : i32
          %dma_wait3A_86 = arith.constant 0 : i32
          %dma_wait3A_87 = tpu.memref_slice %arg9[%dma_wait3A_85, %dma_wait3A_86] : memref<10240x128xf32, #tpu.memory_space<vmem_shared>> -> memref<10240x128xf32, #tpu.memory_space<vmem_shared>>
          tpu.wait_indirect_dma semaphore(%run_scoped3A_75 : memref<!tpu.dma_semaphore, #tpu.memory_space<semaphore_mem>>) src(%arg8 : memref<128x128xf32, #tpu.memory_space<vmem>>) dst(%dma_wait3A_87 : memref<10240x128xf32, #tpu.memory_space<vmem_shared>>)
          tpu.yield
        }) : () -> ()
        %add3A_68 = arith.constant 64 : i32
        %add3A_69 = arith.addi %add3A_56, %add3A_68 : i32
        %lt3A_70 = arith.constant 2500 : i32
        %lt3A_71 = arith.cmpi slt, %add3A_69, %lt3A_70 : i32
        %convert_element_type3A_72 = arith.extui %lt3A_71 : i1 to i32
        %cond3A_73 = arith.constant 0 : i32
        %cond3A_74 = arith.cmpi ne, %convert_element_type3A_72, %cond3A_73 : i32
        scf.if %cond3A_74 {
          %mul3A_75 = arith.constant 128 : i32
          %mul3A_76 = arith.muli %add3A_69, %mul3A_75 : i32
          %multiple_of3A_77 = tpu.assume_multiple %mul3A_76, 128 : i32
          "tpu.region"() ({
            %run_scoped3A_85 = tpu.sem_alloc : memref<!tpu.dma_semaphore, #tpu.memory_space<semaphore_mem>>
            %dma_start3A_86 = arith.constant 0 : i32
            %dma_start3A_87 = tpu.memref_slice %arg3[%dma_start3A_86, %multiple_of3A_77] : memref<2x320000xi32, #tpu.memory_space<hbm>> -> memref<2x128xi32, #tpu.memory_space<hbm>>
            %dma_start3A_88 = arith.constant 0 : i32
            %dma_start3A_89 = tpu.memref_slice %arg3[%dma_start3A_88, %multiple_of3A_77] : memref<2x320000xi32, #tpu.memory_space<hbm>> -> memref<2x128xi32, #tpu.memory_space<hbm>>
            tpu.enqueue_dma source(%dma_start3A_89 : memref<2x128xi32, #tpu.memory_space<hbm>>) target(%arg6 : memref<2x128xi32, #tpu.memory_space<vmem>>) target_semaphore(%run_scoped3A_85 : memref<!tpu.dma_semaphore, #tpu.memory_space<semaphore_mem>>)
            %dma_wait3A_90 = arith.constant 0 : i32
            %dma_wait3A_91 = tpu.memref_slice %arg3[%dma_wait3A_90, %multiple_of3A_77] : memref<2x320000xi32, #tpu.memory_space<hbm>> -> memref<2x128xi32, #tpu.memory_space<hbm>>
            %dma_wait3A_92 = arith.constant 0 : i32
            %dma_wait3A_93 = tpu.memref_slice %arg3[%dma_wait3A_92, %multiple_of3A_77] : memref<2x320000xi32, #tpu.memory_space<hbm>> -> memref<2x128xi32, #tpu.memory_space<hbm>>
            tpu.wait_dma2 semaphore(%run_scoped3A_85 : memref<!tpu.dma_semaphore, #tpu.memory_space<semaphore_mem>>) src(%dma_wait3A_93 : memref<2x128xi32, #tpu.memory_space<hbm>>) dst(%arg6 : memref<2x128xi32, #tpu.memory_space<vmem>>)
            tpu.yield
          }) : () -> ()
          %dma_start3A_78 = arith.constant 0 : i32
          %dma_start3A_79 = arith.constant 0 : i32
          %dma_start3A_80 = tpu.memref_slice %arg6[%dma_start3A_78, %dma_start3A_79] : memref<2x128xi32, #tpu.memory_space<vmem>> -> memref<1x128xi32, #tpu.memory_space<vmem>>
          %dma_start3A_81 = tpu.memref_squeeze %dma_start3A_80 : memref<1x128xi32, #tpu.memory_space<vmem>> -> memref<128xi32, #tpu.memory_space<vmem>>
          %dma_start3A_82 = arith.constant 0 : i32
          %dma_start3A_83 = arith.constant 0 : i32
          %dma_start3A_84 = tpu.memref_slice %arg2[%dma_start3A_82, %dma_start3A_83] : memref<10000x128xf32, #tpu.memory_space<hbm>> -> memref<10000x128xf32, #tpu.memory_space<hbm>>
          tpu.enqueue_indirect_dma source(%dma_start3A_84 : memref<10000x128xf32, #tpu.memory_space<hbm>>) target(%arg8 : memref<128x128xf32, #tpu.memory_space<vmem>>) offsets(%dma_start3A_81 : memref<128xi32, #tpu.memory_space<vmem>>) semaphore(%arg11 : memref<!tpu.dma_semaphore, #tpu.memory_space<semaphore_mem>>)
        } else {
        }
      } else {
      }
    }
    %scan3A_37 = arith.constant 40 : i32
    %barrier3A_38 = arith.constant 0 : index
    tpu.barrier barrier_id(%barrier3A_38)
    %mul3A_39 = arith.constant 10240 : i32
    %mul3A_40 = arith.muli %arg0, %mul3A_39 : i32
    %add3A_41 = arith.addi %mul3A_40, %mul3A_2 : i32
    %multiple_of3A_42 = tpu.assume_multiple %add3A_41, 128 : i32
    "tpu.region"() ({
      %run_scoped3A = tpu.sem_alloc : memref<!tpu.dma_semaphore, #tpu.memory_space<semaphore_mem>>
      %dma_start3A_43 = arith.constant 0 : i32
      %dma_start3A_44 = tpu.memref_slice %arg4[%multiple_of3A_42, %dma_start3A_43] : memref<20480x128xf32, #tpu.memory_space<hbm>> -> memref<640x128xf32, #tpu.memory_space<hbm>>
      %dma_start3A_45 = arith.constant 0 : i32
      %dma_start3A_46 = tpu.memref_slice %arg9[%mul3A_2, %dma_start3A_45] : memref<10240x128xf32, #tpu.memory_space<vmem_shared>> -> memref<640x128xf32, #tpu.memory_space<vmem_shared>>
      tpu.enqueue_dma source(%dma_start3A_46 : memref<640x128xf32, #tpu.memory_space<vmem_shared>>) target(%dma_start3A_44 : memref<640x128xf32, #tpu.memory_space<hbm>>) target_semaphore(%run_scoped3A : memref<!tpu.dma_semaphore, #tpu.memory_space<semaphore_mem>>)
      %dma_wait3A = arith.constant 0 : i32
      %dma_wait3A_47 = tpu.memref_slice %arg4[%multiple_of3A_42, %dma_wait3A] : memref<20480x128xf32, #tpu.memory_space<hbm>> -> memref<640x128xf32, #tpu.memory_space<hbm>>
      %dma_wait3A_48 = arith.constant 0 : i32
      %dma_wait3A_49 = tpu.memref_slice %arg9[%mul3A_2, %dma_wait3A_48] : memref<10240x128xf32, #tpu.memory_space<vmem_shared>> -> memref<640x128xf32, #tpu.memory_space<vmem_shared>>
      tpu.wait_dma2 semaphore(%run_scoped3A : memref<!tpu.dma_semaphore, #tpu.memory_space<semaphore_mem>>) src(%dma_wait3A_49 : memref<640x128xf32, #tpu.memory_space<vmem_shared>>) dst(%dma_wait3A_47 : memref<640x128xf32, #tpu.memory_space<hbm>>)
      tpu.yield
    }) : () -> ()
    return
  }
}

#map = affine_map<(d0, d1) -> (0)>
#map1 = affine_map<(d0, d1) -> (0, 0)>
module attributes {stable_mosaic.version = 14 : i64} {
  func.func @body(%arg0: i32, %arg1: i32, %arg2: memref<320000xi32, #tpu.memory_space<hbm>>, %arg3: memref<32x10240xf32, #tpu.memory_space<hbm>>, %arg4: memref<128xi32, #tpu.memory_space<vmem>>, %arg5: memref<10240xf32, #tpu.memory_space<vmem>>) attributes {dimension_semantics = [#tpu.dimension_semantics<core_parallel>, #tpu.dimension_semantics<subcore_parallel>], iteration_bounds = array<i64: 2, 16>, scalar_prefetch = 0 : i64, scratch_operands = 2 : i64, tpu.core_type = #tpu.core_type<sc_vector_subcore>, window_params = [{transform_indices = #map}, {transform_indices = #map1}]} {
    %mul3A = arith.constant 16 : i32
    %mul3A_0 = arith.muli %arg0, %mul3A : i32
    %add3A = arith.addi %mul3A_0, %arg1 : i32
    %broadcast_in_dim3A = arith.constant 0.000000e+00 : f32
    %broadcast_in_dim3A_1 = vector.broadcast %broadcast_in_dim3A : f32 to vector<16xf32>
    %broadcast_in_dim3A_2 = arith.constant 1.000000e+00 : f32
    %broadcast_in_dim3A_3 = vector.broadcast %broadcast_in_dim3A_2 : f32 to vector<16xf32>
    %scan3A = arith.constant 0 : i32
    %scan3A_4 = arith.constant 640 : i32
    %scan3A_5 = arith.addi %scan3A, %scan3A_4 : i32
    %scan3A_6 = arith.constant 1 : i32
    scf.for %scan3A_13 = %scan3A to %scan3A_5 step %scan3A_6  : i32 {
      %mul3A_14 = arith.constant 1 : i32
      %mul3A_15 = arith.muli %scan3A_13, %mul3A_14 : i32
      %add3A_16 = arith.constant 0 : i32
      %add3A_17 = arith.addi %add3A_16, %mul3A_15 : i32
      %mul3A_18 = arith.constant 16 : i32
      %mul3A_19 = arith.muli %add3A_17, %mul3A_18 : i32
      %swap3A = arith.index_cast %mul3A_19 : i32 to index
      %swap3A_20 = tpu.vector_load %arg5[%swap3A] {strides = array<i32>} : memref<10240xf32, #tpu.memory_space<vmem>>, vector<16xf32>,
      tpu.vector_store %arg5[%swap3A], %broadcast_in_dim3A_1 {strides = array<i32>} : memref<10240xf32, #tpu.memory_space<vmem>>, vector<16xf32>,
    }
    %scan3A_7 = arith.constant 640 : i32
    %scan3A_8 = arith.constant 0 : i32
    %scan3A_9 = arith.constant 79 : i32
    %scan3A_10 = arith.addi %scan3A_8, %scan3A_9 : i32
    %scan3A_11 = arith.constant 1 : i32
    scf.for %scan3A_13 = %scan3A_8 to %scan3A_10 step %scan3A_11  : i32 {
      %mul3A_14 = arith.constant 1 : i32
      %mul3A_15 = arith.muli %scan3A_13, %mul3A_14 : i32
      %add3A_16 = arith.constant 0 : i32
      %add3A_17 = arith.addi %add3A_16, %mul3A_15 : i32
      %mul3A_18 = arith.constant 32 : i32
      %mul3A_19 = arith.muli %add3A_17, %mul3A_18 : i32
      %add3A_20 = arith.addi %add3A, %mul3A_19 : i32
      %lt3A = arith.constant 2500 : i32
      %lt3A_21 = arith.cmpi slt, %add3A_20, %lt3A : i32
      %convert_element_type3A = arith.extui %lt3A_21 : i1 to i32
      %cond3A = arith.constant 0 : i32
      %cond3A_22 = arith.cmpi ne, %convert_element_type3A, %cond3A : i32
      scf.if %cond3A_22 {
        %mul3A_23 = arith.constant 128 : i32
        %mul3A_24 = arith.muli %add3A_20, %mul3A_23 : i32
        %multiple_of3A = tpu.assume_multiple %mul3A_24, 128 : i32
        "tpu.region"() ({
          %run_scoped3A = tpu.sem_alloc : memref<!tpu.dma_semaphore, #tpu.memory_space<semaphore_mem>>
          %dma_start3A = tpu.memref_slice %arg2[%multiple_of3A] : memref<320000xi32, #tpu.memory_space<hbm>> -> memref<128xi32, #tpu.memory_space<hbm>>
          %dma_start3A_30 = tpu.memref_slice %arg2[%multiple_of3A] : memref<320000xi32, #tpu.memory_space<hbm>> -> memref<128xi32, #tpu.memory_space<hbm>>
          tpu.enqueue_dma source(%dma_start3A_30 : memref<128xi32, #tpu.memory_space<hbm>>) target(%arg4 : memref<128xi32, #tpu.memory_space<vmem>>) target_semaphore(%run_scoped3A : memref<!tpu.dma_semaphore, #tpu.memory_space<semaphore_mem>>)
          %dma_wait3A = tpu.memref_slice %arg2[%multiple_of3A] : memref<320000xi32, #tpu.memory_space<hbm>> -> memref<128xi32, #tpu.memory_space<hbm>>
          %dma_wait3A_31 = tpu.memref_slice %arg2[%multiple_of3A] : memref<320000xi32, #tpu.memory_space<hbm>> -> memref<128xi32, #tpu.memory_space<hbm>>
          tpu.wait_dma2 semaphore(%run_scoped3A : memref<!tpu.dma_semaphore, #tpu.memory_space<semaphore_mem>>) src(%dma_wait3A_31 : memref<128xi32, #tpu.memory_space<hbm>>) dst(%arg4 : memref<128xi32, #tpu.memory_space<vmem>>)
          tpu.yield
        }) : () -> ()
        %scan3A_25 = arith.constant 0 : i32
        %scan3A_26 = arith.constant 8 : i32
        %scan3A_27 = arith.addi %scan3A_25, %scan3A_26 : i32
        %scan3A_28 = arith.constant 1 : i32
        scf.for %scan3A_30 = %scan3A_25 to %scan3A_27 step %scan3A_28  : i32 {
          %mul3A_31 = arith.constant 1 : i32
          %mul3A_32 = arith.muli %scan3A_30, %mul3A_31 : i32
          %add3A_33 = arith.constant 0 : i32
          %add3A_34 = arith.addi %add3A_33, %mul3A_32 : i32
          %mul3A_35 = arith.constant 16 : i32
          %mul3A_36 = arith.muli %add3A_34, %mul3A_35 : i32
          %get3A = arith.index_cast %mul3A_36 : i32 to index
          %get3A_37 = tpu.vector_load %arg4[%get3A] {strides = array<i32>} : memref<128xi32, #tpu.memory_space<vmem>>, vector<16xi32>,
          tpu.vector_store_idx %arg5[%get3A_37], %broadcast_in_dim3A_3 {add = true} : memref<10240xf32, #tpu.memory_space<vmem>>[vector<16xi32>], vector<16xf32>,
        }
        %scan3A_29 = arith.constant 8 : i32
      } else {
      }
    }
    %scan3A_12 = arith.constant 79 : i32
    "tpu.region"() ({
      %run_scoped3A = tpu.sem_alloc : memref<!tpu.dma_semaphore, #tpu.memory_space<semaphore_mem>>
      %dma_start3A = arith.constant 0 : i32
      %dma_start3A_13 = tpu.memref_slice %arg3[%add3A, %dma_start3A] : memref<32x10240xf32, #tpu.memory_space<hbm>> -> memref<1x10240xf32, #tpu.memory_space<hbm>>
      %dma_start3A_14 = tpu.memref_squeeze %dma_start3A_13 : memref<1x10240xf32, #tpu.memory_space<hbm>> -> memref<10240xf32, #tpu.memory_space<hbm>>
      %dma_start3A_15 = arith.constant 0 : i32
      %dma_start3A_16 = tpu.memref_slice %arg3[%add3A, %dma_start3A_15] : memref<32x10240xf32, #tpu.memory_space<hbm>> -> memref<1x10240xf32, #tpu.memory_space<hbm>>
      %dma_start3A_17 = tpu.memref_squeeze %dma_start3A_16 : memref<1x10240xf32, #tpu.memory_space<hbm>> -> memref<10240xf32, #tpu.memory_space<hbm>>
      tpu.enqueue_dma source(%arg5 : memref<10240xf32, #tpu.memory_space<vmem>>) target(%dma_start3A_17 : memref<10240xf32, #tpu.memory_space<hbm>>) target_semaphore(%run_scoped3A : memref<!tpu.dma_semaphore, #tpu.memory_space<semaphore_mem>>)
      %dma_wait3A = arith.constant 0 : i32
      %dma_wait3A_18 = tpu.memref_slice %arg3[%add3A, %dma_wait3A] : memref<32x10240xf32, #tpu.memory_space<hbm>> -> memref<1x10240xf32, #tpu.memory_space<hbm>>
      %dma_wait3A_19 = tpu.memref_squeeze %dma_wait3A_18 : memref<1x10240xf32, #tpu.memory_space<hbm>> -> memref<10240xf32, #tpu.memory_space<hbm>>
      %dma_wait3A_20 = arith.constant 0 : i32
      %dma_wait3A_21 = tpu.memref_slice %arg3[%add3A, %dma_wait3A_20] : memref<32x10240xf32, #tpu.memory_space<hbm>> -> memref<1x10240xf32, #tpu.memory_space<hbm>>
      %dma_wait3A_22 = tpu.memref_squeeze %dma_wait3A_21 : memref<1x10240xf32, #tpu.memory_space<hbm>> -> memref<10240xf32, #tpu.memory_space<hbm>>
      tpu.wait_dma2 semaphore(%run_scoped3A : memref<!tpu.dma_semaphore, #tpu.memory_space<semaphore_mem>>) src(%arg5 : memref<10240xf32, #tpu.memory_space<vmem>>) dst(%dma_wait3A_22 : memref<10240xf32, #tpu.memory_space<hbm>>)
      tpu.yield
    }) : () -> ()
    return
  }
}

module attributes {stable_mosaic.version = 14 : i64} {
  func.func @_mm2_body(%arg0: i32, %arg1: memref<1000x128xf32, #tpu.memory_space<vmem>>, %arg2: memref<128x128xf32, #tpu.memory_space<vmem>>, %arg3: memref<128x128xf32, #tpu.memory_space<vmem>>, %arg4: memref<1x128xf32, #tpu.memory_space<vmem>>, %arg5: memref<1000x128xf32, #tpu.memory_space<vmem>>, %arg6: memref<1000x128xf32, #tpu.memory_space<vmem>>) attributes {dimension_semantics = [#tpu.dimension_semantics<arbitrary>], iteration_bounds = array<i64: 10>, scalar_prefetch = 0 : i64, scratch_operands = 0 : i64, tpu.core_type = #tpu.core_type<tc>, window_params = [{transform_indices = @transform_0, window_bounds = array<i64: 1000, 128>}, {pipeline_mode = #tpu.pipeline_mode<synchronous>, transform_indices = @transform_1, window_bounds = array<i64: 128, 128>}, {pipeline_mode = #tpu.pipeline_mode<synchronous>, transform_indices = @transform_2, window_bounds = array<i64: 128, 128>}, {pipeline_mode = #tpu.pipeline_mode<synchronous>, transform_indices = @transform_3, window_bounds = array<i64: 1, 128>}, {transform_indices = @transform_4, window_bounds = array<i64: 1000, 128>}, {transform_indices = @transform_5, window_bounds = array<i64: 1000, 128>}]} {
    %get3A = arith.constant 0 : index
    %get3A_0 = arith.constant 0 : index
    %get3A_1 = vector.load %arg1[%get3A, %get3A_0] : memref<1000x128xf32, #tpu.memory_space<vmem>>, vector<1000x128xf32>
    %get3A_2 = arith.constant 0 : index
    %get3A_3 = arith.constant 0 : index
    %get3A_4 = vector.load %arg2[%get3A_2, %get3A_3] : memref<128x128xf32, #tpu.memory_space<vmem>>, vector<128x128xf32>
    %dot_general3A = arith.constant dense<0.000000e+00> : vector<1000x128xf32>
    %dot_general3A_5 = tpu.matmul %get3A_1, %get3A_4, %dot_general3A {dimension_numbers = #tpu.dot_dimension_numbers<[1], [1], [0], [0], [0, 0, 1, 0], [], []>, precision = #tpu.contract_precision<fp32>, transpose_lhs_hint = false} : vector<1000x128xf32>, vector<128x128xf32>, vector<1000x128xf32> -> vector<1000x128xf32>
    %swap3A = arith.constant 0 : index
    %swap3A_6 = arith.constant 0 : index
    %swap3A_7 = vector.load %arg5[%swap3A, %swap3A_6] : memref<1000x128xf32, #tpu.memory_space<vmem>>, vector<1000x128xf32>
    tpu.vector_store %arg5[%swap3A, %swap3A_6], %dot_general3A_5 {strides = array<i32>} : memref<1000x128xf32, #tpu.memory_space<vmem>>, vector<1000x128xf32>,
    %get3A_8 = arith.constant 0 : index
    %get3A_9 = arith.constant 0 : index
    %get3A_10 = vector.load %arg3[%get3A_8, %get3A_9] : memref<128x128xf32, #tpu.memory_space<vmem>>, vector<128x128xf32>
    %dot_general3A_11 = arith.constant dense<0.000000e+00> : vector<1000x128xf32>
    %dot_general3A_12 = tpu.matmul %get3A_1, %get3A_10, %dot_general3A_11 {dimension_numbers = #tpu.dot_dimension_numbers<[1], [1], [0], [0], [0, 0, 1, 0], [], []>, precision = #tpu.contract_precision<fp32>, transpose_lhs_hint = false} : vector<1000x128xf32>, vector<128x128xf32>, vector<1000x128xf32> -> vector<1000x128xf32>
    %get3A_13 = arith.constant 0 : index
    %get3A_14 = arith.constant 0 : index
    %get3A_15 = vector.load %arg4[%get3A_13, %get3A_14] : memref<1x128xf32, #tpu.memory_space<vmem>>, vector<1x128xf32>
    %add3A = vector.broadcast %get3A_15 : vector<1x128xf32> to vector<1000x128xf32>
    %add3A_16 = arith.addf %dot_general3A_12, %add3A : vector<1000x128xf32>
    %swap3A_17 = arith.constant 0 : index
    %swap3A_18 = arith.constant 0 : index
    %swap3A_19 = vector.load %arg6[%swap3A_17, %swap3A_18] : memref<1000x128xf32, #tpu.memory_space<vmem>>, vector<1000x128xf32>
    tpu.vector_store %arg6[%swap3A_17, %swap3A_18], %add3A_16 {strides = array<i32>} : memref<1000x128xf32, #tpu.memory_space<vmem>>, vector<1000x128xf32>,
    return
  }
  func.func @transform_0(%arg0: i32) -> (i32, i32) {
    %c0_i32 = arith.constant 0 : i32
    %c0_i32_0 = arith.constant 0 : i32
    return %arg0, %c0_i32 : i32, i32
  }
  func.func @transform_1(%arg0: i32) -> (i32, i32) {
    %c0_i32 = arith.constant 0 : i32
    %c0_i32_0 = arith.constant 0 : i32
    %c0_i32_1 = arith.constant 0 : i32
    return %c0_i32, %c0_i32_0 : i32, i32
  }
  func.func @transform_2(%arg0: i32) -> (i32, i32) {
    %c0_i32 = arith.constant 0 : i32
    %c0_i32_0 = arith.constant 0 : i32
    %c0_i32_1 = arith.constant 0 : i32
    return %c0_i32, %c0_i32_0 : i32, i32
  }
  func.func @transform_3(%arg0: i32) -> (i32, i32) {
    %c0_i32 = arith.constant 0 : i32
    %c0_i32_0 = arith.constant 0 : i32
    %c0_i32_1 = arith.constant 0 : i32
    return %c0_i32, %c0_i32_0 : i32, i32
  }
  func.func @transform_4(%arg0: i32) -> (i32, i32) {
    %c0_i32 = arith.constant 0 : i32
    %c0_i32_0 = arith.constant 0 : i32
    return %arg0, %c0_i32 : i32, i32
  }
  func.func @transform_5(%arg0: i32) -> (i32, i32) {
    %c0_i32 = arith.constant 0 : i32
    %c0_i32_0 = arith.constant 0 : i32
    return %arg0, %c0_i32 : i32, i32
  }
}

module attributes {stable_mosaic.version = 14 : i64} {
  func.func @_cnt_recip_body(%arg0: memref<32x10240xf32, #tpu.memory_space<vmem>>, %arg1: memref<1x10240xf32, #tpu.memory_space<vmem>>) attributes {dimension_semantics = [], scalar_prefetch = 0 : i64, scratch_operands = 0 : i64, tpu.core_type = #tpu.core_type<tc>} {
    %get3A = arith.constant 0 : index
    %get3A_0 = arith.constant 0 : index
    %get3A_1 = vector.load %arg0[%get3A, %get3A_0] : memref<32x10240xf32, #tpu.memory_space<vmem>>, vector<32x10240xf32>
    %reduce_sum3A = arith.constant dense<0.000000e+00> : vector<10240xf32>
    %reduce_sum3A_2 = vector.multi_reduction <add>, %get3A_1, %reduce_sum3A [0] : vector<32x10240xf32> to vector<10240xf32>
    %broadcast_in_dim3A = vector.shape_cast %reduce_sum3A_2 : vector<10240xf32> to vector<1x10240xf32>
    %max3A = arith.constant 1.000000e+00 : f32
    %max3A_3 = vector.broadcast %max3A : f32 to vector<1x10240xf32>
    %max3A_4 = arith.maximumf %broadcast_in_dim3A, %max3A_3 : vector<1x10240xf32>
    %div3A = arith.constant 1.000000e+00 : f32
    %div3A_5 = vector.broadcast %div3A : f32 to vector<1x10240xf32>
    %div3A_6 = arith.divf %div3A_5, %max3A_4 : vector<1x10240xf32>
    %swap3A = arith.constant 0 : index
    %swap3A_7 = arith.constant 0 : index
    %swap3A_8 = vector.load %arg1[%swap3A, %swap3A_7] : memref<1x10240xf32, #tpu.memory_space<vmem>>, vector<1x10240xf32>
    tpu.vector_store %arg1[%swap3A, %swap3A_7], %div3A_6 {strides = array<i32>} : memref<1x10240xf32, #tpu.memory_space<vmem>>, vector<1x10240xf32>,
    return
  }
}

module attributes {stable_mosaic.version = 14 : i64} {
  func.func @_combine_mm2_body(%arg0: i32, %arg1: memref<1000x128xf32, #tpu.memory_space<vmem>>, %arg2: memref<1000x128xf32, #tpu.memory_space<vmem>>, %arg3: memref<1000x128xf32, #tpu.memory_space<vmem>>, %arg4: memref<1000x1xf32, #tpu.memory_space<vmem>>, %arg5: memref<128x128xf32, #tpu.memory_space<vmem>>, %arg6: memref<128x128xf32, #tpu.memory_space<vmem>>, %arg7: memref<1x128xf32, #tpu.memory_space<vmem>>, %arg8: memref<1000x128xf32, #tpu.memory_space<vmem>>, %arg9: memref<1000x128xf32, #tpu.memory_space<vmem>>) attributes {dimension_semantics = [#tpu.dimension_semantics<arbitrary>], iteration_bounds = array<i64: 10>, scalar_prefetch = 0 : i64, scratch_operands = 0 : i64, tpu.core_type = #tpu.core_type<tc>, window_params = [{transform_indices = @transform_0, window_bounds = array<i64: 1000, 128>}, {transform_indices = @transform_1, window_bounds = array<i64: 1000, 128>}, {transform_indices = @transform_2, window_bounds = array<i64: 1000, 128>}, {transform_indices = @transform_3, window_bounds = array<i64: 1000, 1>}, {pipeline_mode = #tpu.pipeline_mode<synchronous>, transform_indices = @transform_4, window_bounds = array<i64: 128, 128>}, {pipeline_mode = #tpu.pipeline_mode<synchronous>, transform_indices = @transform_5, window_bounds = array<i64: 128, 128>}, {pipeline_mode = #tpu.pipeline_mode<synchronous>, transform_indices = @transform_6, window_bounds = array<i64: 1, 128>}, {transform_indices = @transform_7, window_bounds = array<i64: 1000, 128>}, {transform_indices = @transform_8, window_bounds = array<i64: 1000, 128>}]} {
    %get3A = arith.constant 0 : index
    %get3A_0 = arith.constant 0 : index
    %get3A_1 = vector.load %arg1[%get3A, %get3A_0] : memref<1000x128xf32, #tpu.memory_space<vmem>>, vector<1000x128xf32>
    %get3A_2 = arith.constant 0 : index
    %get3A_3 = arith.constant 0 : index
    %get3A_4 = vector.load %arg2[%get3A_2, %get3A_3] : memref<1000x128xf32, #tpu.memory_space<vmem>>, vector<1000x128xf32>
    %get3A_5 = arith.constant 0 : index
    %get3A_6 = arith.constant 0 : index
    %get3A_7 = vector.load %arg3[%get3A_5, %get3A_6] : memref<1000x128xf32, #tpu.memory_space<vmem>>, vector<1000x128xf32>
    %add3A = arith.addf %get3A_4, %get3A_7 : vector<1000x128xf32>
    %get3A_8 = arith.constant 0 : index
    %get3A_9 = arith.constant 0 : index
    %get3A_10 = vector.load %arg4[%get3A_8, %get3A_9] : memref<1000x1xf32, #tpu.memory_space<vmem>>, vector<1000x1xf32>
    %mul3A = vector.broadcast %get3A_10 : vector<1000x1xf32> to vector<1000x128xf32>
    %mul3A_11 = arith.mulf %add3A, %mul3A : vector<1000x128xf32>
    %add3A_12 = arith.addf %get3A_1, %mul3A_11 : vector<1000x128xf32>
    %max3A = arith.constant 0.000000e+00 : f32
    %max3A_13 = vector.broadcast %max3A : f32 to vector<1000x128xf32>
    %max3A_14 = arith.maximumf %add3A_12, %max3A_13 : vector<1000x128xf32>
    %get3A_15 = arith.constant 0 : index
    %get3A_16 = arith.constant 0 : index
    %get3A_17 = vector.load %arg5[%get3A_15, %get3A_16] : memref<128x128xf32, #tpu.memory_space<vmem>>, vector<128x128xf32>
    %dot_general3A = arith.constant dense<0.000000e+00> : vector<1000x128xf32>
    %dot_general3A_18 = tpu.matmul %max3A_14, %get3A_17, %dot_general3A {dimension_numbers = #tpu.dot_dimension_numbers<[1], [1], [0], [0], [0, 0, 1, 0], [], []>, precision = #tpu.contract_precision<fp32>, transpose_lhs_hint = false} : vector<1000x128xf32>, vector<128x128xf32>, vector<1000x128xf32> -> vector<1000x128xf32>
    %swap3A = arith.constant 0 : index
    %swap3A_19 = arith.constant 0 : index
    %swap3A_20 = vector.load %arg8[%swap3A, %swap3A_19] : memref<1000x128xf32, #tpu.memory_space<vmem>>, vector<1000x128xf32>
    tpu.vector_store %arg8[%swap3A, %swap3A_19], %dot_general3A_18 {strides = array<i32>} : memref<1000x128xf32, #tpu.memory_space<vmem>>, vector<1000x128xf32>,
    %get3A_21 = arith.constant 0 : index
    %get3A_22 = arith.constant 0 : index
    %get3A_23 = vector.load %arg6[%get3A_21, %get3A_22] : memref<128x128xf32, #tpu.memory_space<vmem>>, vector<128x128xf32>
    %dot_general3A_24 = arith.constant dense<0.000000e+00> : vector<1000x128xf32>
    %dot_general3A_25 = tpu.matmul %max3A_14, %get3A_23, %dot_general3A_24 {dimension_numbers = #tpu.dot_dimension_numbers<[1], [1], [0], [0], [0, 0, 1, 0], [], []>, precision = #tpu.contract_precision<fp32>, transpose_lhs_hint = false} : vector<1000x128xf32>, vector<128x128xf32>, vector<1000x128xf32> -> vector<1000x128xf32>
    %get3A_26 = arith.constant 0 : index
    %get3A_27 = arith.constant 0 : index
    %get3A_28 = vector.load %arg7[%get3A_26, %get3A_27] : memref<1x128xf32, #tpu.memory_space<vmem>>, vector<1x128xf32>
    %add3A_29 = vector.broadcast %get3A_28 : vector<1x128xf32> to vector<1000x128xf32>
    %add3A_30 = arith.addf %dot_general3A_25, %add3A_29 : vector<1000x128xf32>
    %swap3A_31 = arith.constant 0 : index
    %swap3A_32 = arith.constant 0 : index
    %swap3A_33 = vector.load %arg9[%swap3A_31, %swap3A_32] : memref<1000x128xf32, #tpu.memory_space<vmem>>, vector<1000x128xf32>
    tpu.vector_store %arg9[%swap3A_31, %swap3A_32], %add3A_30 {strides = array<i32>} : memref<1000x128xf32, #tpu.memory_space<vmem>>, vector<1000x128xf32>,
    return
  }
  func.func @transform_0(%arg0: i32) -> (i32, i32) {
    %c0_i32 = arith.constant 0 : i32
    %c0_i32_0 = arith.constant 0 : i32
    return %arg0, %c0_i32 : i32, i32
  }
  func.func @transform_1(%arg0: i32) -> (i32, i32) {
    %c0_i32 = arith.constant 0 : i32
    %c0_i32_0 = arith.constant 0 : i32
    return %arg0, %c0_i32 : i32, i32
  }
  func.func @transform_2(%arg0: i32) -> (i32, i32) {
    %c0_i32 = arith.constant 0 : i32
    %c0_i32_0 = arith.constant 0 : i32
    return %arg0, %c0_i32 : i32, i32
  }
  func.func @transform_3(%arg0: i32) -> (i32, i32) {
    %c0_i32 = arith.constant 0 : i32
    %c0_i32_0 = arith.constant 0 : i32
    return %arg0, %c0_i32 : i32, i32
  }
  func.func @transform_4(%arg0: i32) -> (i32, i32) {
    %c0_i32 = arith.constant 0 : i32
    %c0_i32_0 = arith.constant 0 : i32
    %c0_i32_1 = arith.constant 0 : i32
    return %c0_i32, %c0_i32_0 : i32, i32
  }
  func.func @transform_5(%arg0: i32) -> (i32, i32) {
    %c0_i32 = arith.constant 0 : i32
    %c0_i32_0 = arith.constant 0 : i32
    %c0_i32_1 = arith.constant 0 : i32
    return %c0_i32, %c0_i32_0 : i32, i32
  }
  func.func @transform_6(%arg0: i32) -> (i32, i32) {
    %c0_i32 = arith.constant 0 : i32
    %c0_i32_0 = arith.constant 0 : i32
    %c0_i32_1 = arith.constant 0 : i32
    return %c0_i32, %c0_i32_0 : i32, i32
  }
  func.func @transform_7(%arg0: i32) -> (i32, i32) {
    %c0_i32 = arith.constant 0 : i32
    %c0_i32_0 = arith.constant 0 : i32
    return %arg0, %c0_i32 : i32, i32
  }
  func.func @transform_8(%arg0: i32) -> (i32, i32) {
    %c0_i32 = arith.constant 0 : i32
    %c0_i32_0 = arith.constant 0 : i32
    return %arg0, %c0_i32 : i32, i32
  }
}

module attributes {stable_mosaic.version = 14 : i64} {
  func.func @_final_body(%arg0: i32, %arg1: memref<1000x128xf32, #tpu.memory_space<vmem>>, %arg2: memref<1000x128xf32, #tpu.memory_space<vmem>>, %arg3: memref<1000x128xf32, #tpu.memory_space<vmem>>, %arg4: memref<1000x1xf32, #tpu.memory_space<vmem>>, %arg5: memref<1000x128xf32, #tpu.memory_space<vmem>>) attributes {dimension_semantics = [#tpu.dimension_semantics<arbitrary>], iteration_bounds = array<i64: 10>, scalar_prefetch = 0 : i64, scratch_operands = 0 : i64, tpu.core_type = #tpu.core_type<tc>, window_params = [{transform_indices = @transform_0, window_bounds = array<i64: 1000, 128>}, {transform_indices = @transform_1, window_bounds = array<i64: 1000, 128>}, {transform_indices = @transform_2, window_bounds = array<i64: 1000, 128>}, {transform_indices = @transform_3, window_bounds = array<i64: 1000, 1>}, {transform_indices = @transform_4, window_bounds = array<i64: 1000, 128>}]} {
    %get3A = arith.constant 0 : index
    %get3A_0 = arith.constant 0 : index
    %get3A_1 = vector.load %arg1[%get3A, %get3A_0] : memref<1000x128xf32, #tpu.memory_space<vmem>>, vector<1000x128xf32>
    %get3A_2 = arith.constant 0 : index
    %get3A_3 = arith.constant 0 : index
    %get3A_4 = vector.load %arg2[%get3A_2, %get3A_3] : memref<1000x128xf32, #tpu.memory_space<vmem>>, vector<1000x128xf32>
    %get3A_5 = arith.constant 0 : index
    %get3A_6 = arith.constant 0 : index
    %get3A_7 = vector.load %arg3[%get3A_5, %get3A_6] : memref<1000x128xf32, #tpu.memory_space<vmem>>, vector<1000x128xf32>
    %add3A = arith.addf %get3A_4, %get3A_7 : vector<1000x128xf32>
    %get3A_8 = arith.constant 0 : index
    %get3A_9 = arith.constant 0 : index
    %get3A_10 = vector.load %arg4[%get3A_8, %get3A_9] : memref<1000x1xf32, #tpu.memory_space<vmem>>, vector<1000x1xf32>
    %mul3A = vector.broadcast %get3A_10 : vector<1000x1xf32> to vector<1000x128xf32>
    %mul3A_11 = arith.mulf %add3A, %mul3A : vector<1000x128xf32>
    %add3A_12 = arith.addf %get3A_1, %mul3A_11 : vector<1000x128xf32>
    %swap3A = arith.constant 0 : index
    %swap3A_13 = arith.constant 0 : index
    %swap3A_14 = vector.load %arg5[%swap3A, %swap3A_13] : memref<1000x128xf32, #tpu.memory_space<vmem>>, vector<1000x128xf32>
    tpu.vector_store %arg5[%swap3A, %swap3A_13], %add3A_12 {strides = array<i32>} : memref<1000x128xf32, #tpu.memory_space<vmem>>, vector<1000x128xf32>,
    return
  }
  func.func @transform_0(%arg0: i32) -> (i32, i32) {
    %c0_i32 = arith.constant 0 : i32
    %c0_i32_0 = arith.constant 0 : i32
    return %arg0, %c0_i32 : i32, i32
  }
  func.func @transform_1(%arg0: i32) -> (i32, i32) {
    %c0_i32 = arith.constant 0 : i32
    %c0_i32_0 = arith.constant 0 : i32
    return %arg0, %c0_i32 : i32, i32
  }
  func.func @transform_2(%arg0: i32) -> (i32, i32) {
    %c0_i32 = arith.constant 0 : i32
    %c0_i32_0 = arith.constant 0 : i32
    return %arg0, %c0_i32 : i32, i32
  }
  func.func @transform_3(%arg0: i32) -> (i32, i32) {
    %c0_i32 = arith.constant 0 : i32
    %c0_i32_0 = arith.constant 0 : i32
    return %arg0, %c0_i32 : i32, i32
  }
  func.func @transform_4(%arg0: i32) -> (i32, i32) {
    %c0_i32 = arith.constant 0 : i32
    %c0_i32_0 = arith.constant 0 : i32
    return %arg0, %c0_i32 : i32, i32
  }
}

</mosaic_0001>

<sc_bundles>
// kernel: kernel.12.cloned.1.call-start
scs
__scs_entry_jumppad:
0x0: {  	(pc) =	sbr.rel $0x88, $3  }
0x1: {  	(tag) =	ssettag $0x0;
	lr =	simm.s32 $0x1  }
0x2: {  	[smem:$0x3F97] =	sst lr;
	_ =	strace $0xD0000000  }
0x3: {  	_ = 	snop  }
0x4: {  	_ = 	snop  }
0x5: {  	_ = 	snop  }
0x6: {  	_ = 	snop  }
0x7: {  	_ = 	snop  }
__scs_overlays_trampoline_lowered:
0x8: {  	[smem:$0x3FA6] =	sst s0  }
0x9: {  	[smem:$0x3FA7] =	sst s1  }
0xa: {  	[smem:$0x3FA8] =	sst s2  }
0xb: {  	[smem:$0x3FA9] =	sst s3  }
0xc: {  	[smem:$0x3FAA] =	sst s4  }
0xd: {  	[smem:$0x3FAB] =	sst s5  }
0xe: {  	[smem:$0x3FAC] =	sst s6  }
0xf: {  	[smem:$0x3FAD] =	sst s7  }
0x10: {  	[smem:$0x3FAE] =	sst s8  }
0x11: {  	[smem:$0x3FAF] =	sst s9;
	s0 =	simm.s32 @!p0 $0x0  }
0x12: {  	s1 =	sld [smem:$0x3F95];
	s0 =	simm.s32 @p0 $0x1  }
0x13: {  	[smem:$0x3FB0] =	sst s0;
	s0 =	simm.s32 @!p1 $0x0  }
0x14: {  	s2 =	sld [smem:$0x3F94];
	s0 =	simm.s32 @p1 $0x1  }
0x15: {  	[smem:$0x3FB1] =	sst s0;
	s0 =	simm.s32 @!p2 $0x0  }
0x16: {  	s3 =	sld [smem:$0x3FDB];
	s0 =	simm.s32 @p2 $0x1  }
0x17: {  	s4 =	simm.s32 $0x1BF5;
	[smem:$0x3FB3] =	sst s0  }
0x18: {  	s0 =	sld [smem:$0x3F96];
	_ =	swait.ge [sflag:s4], $0x0  }
0x19: {  	s7 =	sld [smem:$0x3F97]  }
0x1a: {  	s8 =	sadd.s32 $0xFFFFE003, lr  }
0x1b: {  	s9 =	sadd.s32 $0xFFFFFEF7, lr;
	s5 =	simm.s32 $0xFFFFFFFF;
	p2 =	slt.u32 s8, $0xFFFFF086  }
0x1c: {  	p1 =	slt.u32 s9, $0xF7A;
	s5 =	simm.s32 @!p2 $0x0  }
0x1d: {  	s5 =	simm.s32 @p1 $0x1;
	p0 =	seq.s32 s7, s2  }
0x1e: {  	s7 =	smul.u32 @!p0 $0xF7A, s2;
	p2 =	seq.s32 @!p0 s5, $0x0  }
0x1f: {  	s9 =	smul.u32 $0xF7A, s1;
	s8 =	simm.s32 @!p0 $0x1BF5;
	p2 =	por !p2, p0  }
0x20: {  	[sflag:s8] =	ssyncset.s32 @!p0 $0xFFFFF086;
	s6 =	sadd.s32 @!p0 s3, s7;
	s7 =	simm.s32 @!p0 $0x108  }
0x21: {  	s3 =	sadd.s32 s3, s9;
	s6 =	sadd.s32 @!p0 $0x88, s6;
	s7 =	simm.s32 @p2 $0x1082  }
0x22: {  	[simem:s7], [sflag:s8] =	dma.local @!p0 [hbm:s6], $0xF7A  }
0x23: {  	s9 =	sor.u32 $0xD0000000, s2;
	s6 =	simm.s32 $0x108;
	_ =	swait.ge @!p0 [sflag:s8], $0x0  }
0x24: {  	s3 =	sadd.s32 $0x88, s3;
	s6 =	simm.s32 @!p1 $0x1082;
	[sflag:s4] =	ssyncset.s32 $0xFFFFF086  }
0x25: {  	[simem:s6], [sflag:s4] =	dma.local [hbm:s3], $0xF7A  }
0x26: {  	[smem:$0x3F97] =	sst s1;
	(tag) =	ssettag s2;
	_ =	strace s9  }
0x27: {  	s1 =	sld [smem:$0x3FA7]  }
0x28: {  	s2 =	sld [smem:$0x3FA8]  }
0x29: {  	s4 =	sld [smem:$0x3FAA]  }
0x2a: {  	p0 =	seq.s32 s5, $0x0;
	s5 =	sld [smem:$0x3FAB]  }
0x2b: {  	s6 =	sld [smem:$0x3FAC]  }
0x2c: {  	s7 =	sld [smem:$0x3FAD]  }
0x2d: {  	s3 =	simm.s32 $0x108;
	s8 =	sld [smem:$0x3FAE]  }
0x2e: {  	s3 =	simm.s32 @!p0 $0x1082;
	s9 =	sld [smem:$0x3FAF]  }
0x2f: {  	lr =	sadd.s32 s0, s3;
	s0 =	sld [smem:$0x3FA6]  }
0x30: {  	s3 =	sld [smem:$0x3FA9]  }
0x31: {  	[smem:$0x3FB2] =	sst s10  }
0x32: {  	s10 =	sld [smem:$0x3FB0];
	_ =	sdelay $0x3  }
0x33: {  	p0 =	seq.s32 s10, $0x1;
	s10 =	sld [smem:$0x3FB2];
	_ =	sdelay $0x3  }
0x34: {  	[smem:$0x3FB2] =	sst s10  }
0x35: {  	s10 =	sld [smem:$0x3FB1];
	_ =	sdelay $0x3  }
0x36: {  	p1 =	seq.s32 s10, $0x1;
	s10 =	sld [smem:$0x3FB2];
	_ =	sdelay $0x3  }
0x37: {  	[smem:$0x3FB2] =	sst s10  }
0x38: {  	s10 =	sld [smem:$0x3FB3]  }
0x39: {  	_ = 	snop;
	(pc) =	sbr.ind lr, $3  }
0x3a: {  	_ = 	snop  }
0x3b: {  	_ = 	snop  }
0x3c: {  	p2 =	seq.s32 s10, $0x1;
	s10 =	sld [smem:$0x3FB2]  }
0x3d: {  	_ =	shalt  }
0x3e: {  	_ =	shalt  }
0x3f: {  	_ =	shalt  }
0x40: {  	_ =	shalt  }
0x41: {  	_ =	shalt  }
0x42: {  	_ =	shalt  }
0x43: {  	_ =	shalt  }
0x44: {  	_ =	shalt  }
0x45: {  	_ =	shalt  }
0x46: {  	_ =	shalt  }
0x47: {  	_ =	shalt  }
0x48: {  	_ =	shalt  }
0x49: {  	_ =	shalt  }
0x4a: {  	_ =	shalt  }
0x4b: {  	_ =	shalt  }
0x4c: {  	_ =	shalt  }
0x4d: {  	_ =	shalt  }
0x4e: {  	_ =	shalt  }
0x4f: {  	_ =	shalt  }
0x50: {  	_ =	shalt  }
0x51: {  	_ =	shalt  }
0x52: {  	_ =	shalt  }
0x53: {  	_ =	shalt  }
0x54: {  	_ =	shalt  }
0x55: {  	_ =	shalt  }
0x56: {  	_ =	shalt  }
0x57: {  	_ =	shalt  }
0x58: {  	_ =	shalt  }
0x59: {  	_ =	shalt  }
0x5a: {  	_ =	shalt  }
0x5b: {  	_ =	shalt  }
0x5c: {  	_ =	shalt  }
0x5d: {  	_ =	shalt  }
0x5e: {  	_ =	shalt  }
0x5f: {  	_ =	shalt  }
0x60: {  	_ =	shalt  }
0x61: {  	_ =	shalt  }
0x62: {  	_ =	shalt  }
0x63: {  	_ =	shalt  }
0x64: {  	_ =	shalt  }
0x65: {  	_ =	shalt  }
0x66: {  	_ =	shalt  }
0x67: {  	_ =	shalt  }
0x68: {  	_ =	shalt  }
0x69: {  	_ =	shalt  }
0x6a: {  	_ =	shalt  }
0x6b: {  	_ =	shalt  }
0x6c: {  	_ =	shalt  }
0x6d: {  	_ =	shalt  }
0x6e: {  	_ =	shalt  }
0x6f: {  	_ =	shalt  }
0x70: {  	_ =	shalt  }
0x71: {  	_ =	shalt  }
0x72: {  	_ =	shalt  }
0x73: {  	_ =	shalt  }
0x74: {  	_ =	shalt  }
0x75: {  	_ =	shalt  }
0x76: {  	_ =	shalt  }
0x77: {  	_ =	shalt  }
0x78: {  	_ =	shalt  }
0x79: {  	_ =	shalt  }
0x7a: {  	_ =	shalt  }
0x7b: {  	_ =	shalt  }
0x7c: {  	_ =	shalt  }
0x7d: {  	_ =	shalt  }
0x7e: {  	_ =	shalt  }
0x7f: {  	_ =	shalt  }
0x80: {  	_ =	shalt  }
0x81: {  	_ =	shalt  }
0x82: {  	_ =	shalt  }
0x83: {  	_ =	shalt  }
0x84: {  	_ =	shalt  }
0x85: {  	_ =	shalt  }
0x86: {  	_ =	shalt  }
0x87: {  	_ =	shalt  }
.Lfunc_end0:
.L_simem_size_0:
called_computation.1_lowered:
.L_overlay_start_0:
0x88: {  	s2 =	sld [smem:$0x3FD9]  }
0x89: {  	s3 =	sld [smem:$0x3FFE];
	_ =	sdelay $0x1  }
0x8a: {  	s1 =	srdreg.scid  }
0x8b: {  	s0 =	sand.u32 $0x1, s1  }
0x8c: {  	s17 =	sshll.u32 s0, $0xA;
	s2 =	sadd.s32 s3, s2  }
0x8d: {  	s2 =	sadd.s32 s2, s17  }
0x8e: {  	[smem:$0x3FBE] =	sst s2  }
0x8f: {  	_ = 	snop  }
0x90: {  	s18 =	sld [smem:$0x3FC8]  }
0x91: {  	s4 =	sld [smem:$0x3FD0];
	(tm) =	ssettm $0x1  }
0x92: {  	s19 =	sld [smem:$0x3FFB];
	_ =	sdelay $0x3  }
0x93: {  	_ =	strace s19  }
0x94: {  	s2 =	sld [smem:$0x3FFC];
	_ =	sdelay $0x3  }
0x95: {  	_ =	strace s2  }
0x96: {  	s2 =	sld [smem:$0x3FFD];
	_ =	sdelay $0x3  }
0x97: {  	_ =	strace s2  }
0x98: {  	_ =	strace $0x8FFFFFFF  }
0x99: {  	s20 =	sld [smem:$0x3FDB];
	_ =	sdelay $0x1  }
0x9a: {  	s5 =	simm.s32 $_scs_section_size  }
0x9b: {  	s6 =	simm.s32 $_size__tile_overlayer_lowered;
	s7 =	simm.s32 $_tile_overlayer_lowered  }
0x9c: {  	s8 =	simm.s32 $0x1BFF;
	s21 =	sshll.u32 s7, $0x1;
	s5 =	sadd.s32 s5, s20  }
0x9d: {  	s22 =	simm.s32 $0x0;
	s6 =	sshll.u32 s6, $0x1;
	s7 =	sadd.s32 s21, s5  }
0x9e: {  	[timem:s22], [sflag:s8] =	dma.local [hbm:s7], s6  }
0x9f: {  	_ =	swait.ge [sflag:s8], s6  }
0xa0: {  	s6 =	ssub.s32 $0x0, s6;
	[sflag:s8] =	ssyncset.done $0x0  }
0xa1: {  	[sflag:s8] =	ssyncadd.s32 s6;
	_ =	sdelay $0x1  }
0xa2: {  	s23 =	simm.s32 $0x1B8B  }
0xa3: {  	_ =	swait.ge [sflag:s23], $0x1  }
0xa4: {  	[sflag:s23] =	ssyncset.done $0x0  }
0xa5: {  	[sflag:s23] =	ssyncadd.s32 $0xFFFFFFFF  }
0xa6: {  	s6 =	sld [smem:$0x0]  }
0xa7: {  	s7 =	sand.u32 $0xFFFFFFFE, s1  }
0xa8: {  	p0 =	sne.s32 s1, s7  }
0xa9: {  	s7 =	sshll.u32 @p0 s7, $0xE  }
0xaa: {  	s7 =	sadd.s32 @p0 $0x11B8D, s7;
	s8 =	sshll.u32 @p0 s6, $0x11  }
0xab: {  	s7 =	sor.u32 @p0 s8, s7  }
0xac: {  	[sflag:s7] =	ssyncadd.remote.s32 @p0 $0x1;
	_ =	sdelay $0x1  }
0xad: {  	s7 =	simm.s32 @p0 $0x1B8D  }
0xae: {  	_ =	swait.eq @p0 [sflag:s7], $0x1  }
0xaf: {  	[sflag:s7] =	ssyncadd.s32 @p0 $0xFFFFFFFF  }
0xb0: {  	s8 =	sshll.u32 @!p0 s1, $0xE  }
0xb1: {  	s8 =	sor.u32 @!p0 $0x4000, s8;
	s7 =	simm.s32 @!p0 $0x1B8D  }
0xb2: {  	s6 =	sshll.u32 @!p0 s6, $0x11;
	s8 =	sadd.s32 @!p0 $0x11B8D, s8;
	_ =	swait.eq @!p0 [sflag:s7], $0x1  }
0xb3: {  	s6 =	sor.u32 @!p0 s6, s8;
	[sflag:s7] =	ssyncadd.s32 @!p0 $0xFFFFFFFF  }
0xb4: {  	s25 =	simm.s32 $0x1B8E;
	s24 =	sld [smem:$0x3FFE];
	[sflag:s6] =	ssyncadd.remote.s32 @!p0 $0x1  }
0xb5: {  	s26 =	simm.s32 $execute0_lowered;
	[smem:$0x3FD2] =	sst s25  }
0xb6: {  	s7 =	sshll.u32 s26, $0x1;
	_ =	strace $0x80000049;
	[dreg:$0x1] =	wrdreg $0xFFFFFFFF  }
0xb7: {  	s28 =	simm.s32 $_size_execute0_lowered;
	s5 =	sadd.s32 s5, s7;
	[dreg:$0x0] =	wrdreg $0x0  }
0xb8: {  	s7 =	sshll.u32 s28, $0x1;
	[dreg:$0x2] =	wrdreg s5  }
0xb9: {  	[dreg:$0x3] =	wrdreg s7  }
0xba: {  	[dreg:$0x4] =	wrdreg $0xC0  }
0xbb: {  	_ =	task [dreg:s22], $0x5FFFF  }
0xbc: {  	[dreg:$0x1] =	wrdreg $0xFFFFFFFF  }
0xbd: {  	[dreg:$0x0] =	wrdreg $0x60  }
0xbe: {  	[dreg:$0x2] =	wrdreg s4  }
0xbf: {  	[dreg:$0x3] =	wrdreg s18  }
0xc0: {  	[dreg:$0x4] =	wrdreg s24  }
0xc1: {  	[dreg:$0x5] =	wrdreg $0x82000  }
0xc2: {  	[dreg:$0x6] =	wrdreg $0xA  }
0xc3: {  	_ =	task.clear_ibuf [dreg:s22], $0x7FFFF;
	_ =	strace $0x90000049  }
0xc4: {  	s29 =	simm.s32 $0xA;
	_ =	strace $0x8000004B  }
0xc5: {  	_ =	swait.ge [sflag:s29], $0x1  }
0xc6: {  	[sflag:s29] =	ssyncadd.s32 $0xFFFFFFFF  }
0xc7: {  	_ =	strace $0x9000004B  }
0xc8: {  	_ =	sfence  }
0xc9: {  	s30 =	sld [smem:$0x0];
	_ =	sdelay $0x2  }
0xca: {  	s31 =	sshll.u32 s1, $0xD;
	s1 =	sshrl.u32 s1, $0x2  }
0xcb: {  	s4 =	sand.u32 $0x4000, s31;
	s1 =	sadd.s32 s1, s30  }
0xcc: {  	s0 =	sor.u32 s4, s0;
	s1 =	sshll.u32 s1, $0x11  }
0xcd: {  	s0 =	sor.u32 s1, s0  }
0xce: {  	s0 =	sadd.s32 $0x8F2B, s0  }
0xcf: {  	[sflag:s0] =	ssyncadd.remote.s32 $0x1  }
0xd0: {  	_ =	sfence.sel $0xFFFF  }
0xd1: {  	[dreg:$0x0] =	wrdreg $0xFFFFFFFF;
	(pc) =	sbr.abs _section_cstart, $3  }
0xd2: {  	[dreg:$0x1] =	wrdreg $0xFFFFFFFF  }
0xd3: {  	_ =	task.clear_ibuf [dreg:s22], $0x2FFFF;
	_ =	strace $0x9FFFFFFF  }
0xd4: {  	(tm) =	ssettm $0x7FFFFFFF  }
0xd5: {  	_ =	shalt  }
tec
execute0_lowered:
.L_overlay_start_1:
0x0: {  	(tag) =	ssettag $0x1  }
0x1: {  	s1 =	rddreg [dreg:$0x0]  }
0x2: {  	s15 =	rddreg [dreg:$0x1]  }
0x3: {  	s5 =	rddreg [dreg:$0x2]  }
0x4: {  	s3 =	rddreg [dreg:$0x3]  }
0x5: {  	s0 =	rddreg [dreg:$0x4]  }
0x6: {  	s6 =	srdreg.scid;
	s2 =	stileid.u32  }
0x7: {  	s4 =	simm.s32 $0x0;
	s18 =	simm.s32 $0x80;
	s19 =	simm.s32 $0x100  }
0x8: {  	s20 =	simm.s32 $0x4200;
	s21 =	simm.s32 $0x1;
	s23 =	smul.u32 $0x2800, s2  }
0x9: {  	s22 =	simm.s32 $0x2;
	s14 =	sand.u32 $0x1, s6;
	s25 =	smul.u32 $0x50000, s2  }
0xa: {  	[smem:$0x7FF] =	sst s4;
	s31 =	sshll.u32 s2, $0x5;
	s7 =	smul.u32 $0x28000, s14  }
0xb: {  	_ =	strace $0x8000004A;
	s24 =	ssub.s32 $0x2, s14;
	s8 =	sshll.u32 s14, $0x4  }
0xc: {  	s30 =	sshll.u32 s14, $0x9;
	s9 =	sshrl.u32 s24, $0x1;
	s16 =	sor.u32 s2, s8  }
0xd: {  	s28 =	sshrl.u32 s25, $0x2;
	s6 =	sadd.s32 s23, s7;
	s9 =	ssub.s32 s24, s9  }
0xe: {  	s26 =	sshll.u32 s16, $0x5;
	s24 =	sor.u32 $0x980, s16;
	s25 =	sor.u32 $0x9C0, s16  }
0xf: {  	s16 =	simm.s32 $0x200;
	s23 =	simm.s32 $0x180;
	s10 =	sadd.s32 s6, s5  }
0x10: {  	s5 =	sadd.s32 s15, s26;
	s6 =	sadd.s32 s28, s3;
	s29 =	sshll.u32 s24, $0x5  }
0x11: {  	s9 =	smax.u32 s9, $0x1;
	p0 =	sgt.u32 s24, $0x983;
	p1 =	sgt.u32 s25, $0x9C3  }
0x12: {  	s24 =	simm.s32 $0x0;
	s7 =	sadd.s32 $0x400, s5;
	s17 =	sadd.s32 s29, s15  }
0x13: {  	s8 =	sadd.s32 $0x17400, s10;
	s10 =	sadd.s32 $0x4000, s6;
	s11 =	sadd.s32 $0x8000, s6  }
0x14: {  	s12 =	sadd.s32 $0xC000, s6;
	s13 =	sadd.s32 $0x10000, s6;
	s15 =	sadd.s32 s30, s15  }
0x15: {  	v0 =	vimm.f32 $0.0e+00;
	s14 =	sadd.s32 $0x800, s17;
	s15 =	sadd.s32 s31, s15;
	s17 =	simm.s32 $0x3  }
.LBB2_1:
0x16: {  	s25 =	simm.s32 $0x0;
	s26 =	simm.s32 $0x200  }
.LBB2_2:
0x17: {  	p2 =	sne.s32 s26, $0xFE00;
	[tilespmem:s25+$0x270] =	vst v0  }
0x18: {  	[tilespmem:s25+$0x200] =	vst v0  }
0x19: {  	[tilespmem:s25+$0x210] =	vst v0  }
.Ltmp0:
0x1a: {  	[tilespmem:s25+$0x220] =	vst v0;
	(pc) =	sbr.rel @p2 .LBB2_2-.Ltmp0, $4  }
0x1b: {  	[tilespmem:s25+$0x230] =	vst v0  }
0x1c: {  	[tilespmem:s25+$0x240] =	vst v0  }
0x1d: {  	[tilespmem:s25+$0x250] =	vst v0  }
0x1e: {  	[tilespmem:s25+$0x260] =	vst v0;
	s25 =	sshra.s32 s26, $0x2;
	s26 =	sadd.s32 $0x200, s26  }
0x1f: {  	[tilespmem:s25+$0x270] =	vst v0  }
0x20: {  	[tilespmem:s25+$0x200] =	vst v0  }
0x21: {  	[tilespmem:s25+$0x210] =	vst v0  }
0x22: {  	[tilespmem:s25+$0x220] =	vst v0  }
0x23: {  	[tilespmem:s25+$0x230] =	vst v0  }
0x24: {  	[tilespmem:s25+$0x240] =	vst v0  }
0x25: {  	[tilespmem:s25+$0x250] =	vst v0  }
0x26: {  	[tilespmem:s25+$0x260] =	vst v0  }
0x27: {  	[spmem:s6] =	stream.linear.scatter [tilespmem:s16], [sflag:$0x3], $0x4000, $0x38;
	[tilespmem:$0x1C200] =	vst v63  }
0x28: {  	_ =	swait.ge [sflag:s17], $0x4000  }
0x29: {  	[sflag:s17] =	ssyncset.done $0x0  }
0x2a: {  	[sflag:s17] =	ssyncadd.s32 $0xFFFFC000  }
0x2b: {  	[spmem:s10] =	stream.linear.scatter [tilespmem:s16], [sflag:$0x3], $0x4000, $0x38;
	[tilespmem:$0x1C200] =	vst v63  }
0x2c: {  	_ =	swait.ge [sflag:s17], $0x4000  }
0x2d: {  	[sflag:s17] =	ssyncset.done $0x0  }
0x2e: {  	[sflag:s17] =	ssyncadd.s32 $0xFFFFC000  }
0x2f: {  	[spmem:s11] =	stream.linear.scatter [tilespmem:s16], [sflag:$0x3], $0x4000, $0x38;
	[tilespmem:$0x1C200] =	vst v63  }
0x30: {  	_ =	swait.ge [sflag:s17], $0x4000  }
0x31: {  	[sflag:s17] =	ssyncset.done $0x0  }
0x32: {  	[sflag:s17] =	ssyncadd.s32 $0xFFFFC000  }
0x33: {  	[spmem:s12] =	stream.linear.scatter [tilespmem:s16], [sflag:$0x3], $0x4000, $0x38;
	[tilespmem:$0x1C200] =	vst v63  }
0x34: {  	_ =	swait.ge [sflag:s17], $0x4000  }
0x35: {  	[sflag:s17] =	ssyncset.done $0x0  }
0x36: {  	[sflag:s17] =	ssyncadd.s32 $0xFFFFC000  }
0x37: {  	[spmem:s13] =	stream.linear.scatter [tilespmem:s16], [sflag:$0x3], $0x4000, $0x38;
	[tilespmem:$0x1C200] =	vst v63  }
0x38: {  	_ =	swait.ge [sflag:s17], $0x4000  }
0x39: {  	[sflag:s17] =	ssyncset.done $0x0  }
0x3a: {  	[sflag:s17] =	ssyncadd.s32 $0xFFFFC000  }
0x3b: {  	[bflag:$0x0] =	sbarrier.arrive $0xFFFF  }
0x3c: {  	[tilespmem:s4], [sflag:$0x3] =	stream.linear.gather [hbm4b:s5+s4], $0x100, $0x38;
	[tilespmem:$0x1C200] =	vst v63  }
0x3d: {  	_ =	swait.ge [sflag:s17], $0x100  }
0x3e: {  	[sflag:s17] =	ssyncset.done $0x0  }
0x3f: {  	[sflag:s17] =	ssyncadd.s32 $0xFFFFFF00  }
0x40: {  	[tilespmem:s16], [sflag:$0x1] =	stream.indirect.gather [hbm4b:s1+s18], $0x80, s4, s18, $0xb8;
	[tilespmem:$0x1C200] =	vst v63  }
0x41: {  	_ = 	snop  }
0x42: {  	[tilespmem:s19], [sflag:$0x3] =	stream.linear.gather [hbm4b:s7+s4], $0x100, $0x38;
	[tilespmem:$0x1C200] =	vst v63  }
0x43: {  	_ =	swait.ge [sflag:s17], $0x100  }
0x44: {  	[sflag:s17] =	ssyncset.done $0x0  }
0x45: {  	[sflag:s17] =	ssyncadd.s32 $0xFFFFFF00  }
0x46: {  	[tilespmem:s20], [sflag:$0x2] =	stream.indirect.gather [hbm4b:s1+s18], $0x80, s19, s18, $0xb8;
	[tilespmem:$0x1C200] =	vst v63  }
0x47: {  	_ =	swait.ge [sflag:s21], $0x4000  }
0x48: {  	[sflag:s21] =	ssyncset.done $0x0  }
0x49: {  	[sflag:s21] =	ssyncadd.s32 $0xFFFFC000  }
0x4a: {  	[spmem:s3] =	stream.indirect.scatter.add.f32 [tilespmem:s16], [sflag:$0x3], $0x80, s18, s18, $0xb8;
	[tilespmem:$0x1C200] =	vst v63  }
0x4b: {  	_ =	swait.ge [sflag:s17], $0x4000  }
0x4c: {  	s31 =	sadd.s32 $0xFFFED000, s15;
	[sflag:s17] =	ssyncset.done $0x0  }
0x4d: {  	s26 =	sadd.s32 $0x13800, s31;
	[sflag:s17] =	ssyncadd.s32 $0xFFFFC000  }
0x4e: {  	[tilespmem:s4], [sflag:$0x3] =	stream.linear.gather [hbm4b:s26+s4], $0x100, $0x38;
	[tilespmem:$0x1C200] =	vst v63  }
0x4f: {  	_ =	swait.ge [sflag:s17], $0x100  }
0x50: {  	[sflag:s17] =	ssyncset.done $0x0  }
0x51: {  	[sflag:s17] =	ssyncadd.s32 $0xFFFFFF00  }
0x52: {  	[tilespmem:s16], [sflag:$0x1] =	stream.indirect.gather [hbm4b:s1+s18], $0x80, s4, s18, $0xb8;
	[tilespmem:$0x1C200] =	vst v63  }
0x53: {  	_ =	swait.ge [sflag:s22], $0x4000  }
0x54: {  	[sflag:s22] =	ssyncset.done $0x0  }
0x55: {  	[sflag:s22] =	ssyncadd.s32 $0xFFFFC000  }
0x56: {  	[spmem:s3] =	stream.indirect.scatter.add.f32 [tilespmem:s20], [sflag:$0x3], $0x80, s23, s18, $0xb8;
	[tilespmem:$0x1C200] =	vst v63  }
0x57: {  	_ =	swait.ge [sflag:s17], $0x4000  }
0x58: {  	[sflag:s17] =	ssyncset.done $0x0  }
0x59: {  	s25 =	sadd.s32 $0x13C00, s31;
	[sflag:s17] =	ssyncadd.s32 $0xFFFFC000  }
0x5a: {  	[tilespmem:s19], [sflag:$0x3] =	stream.linear.gather [hbm4b:s25+s4], $0x100, $0x38;
	[tilespmem:$0x1C200] =	vst v63  }
0x5b: {  	_ =	swait.ge [sflag:s17], $0x100  }
0x5c: {  	[sflag:s17] =	ssyncset.done $0x0  }
0x5d: {  	s25 =	simm.s32 $0xFFFED800;
	[sflag:s17] =	ssyncadd.s32 $0xFFFFFF00  }
.LBB2_4:
0x5e: {  	[tilespmem:s20], [sflag:$0x2] =	stream.indirect.gather [hbm4b:s1+s18], $0x80, s19, s18, $0xb8;
	[tilespmem:$0x1C200] =	vst v63  }
0x5f: {  	s26 =	smov.u32 s25  }
0x60: {  	p2 =	sne.s32 s25, $0xFFFFF800;
	s25 =	sadd.s32 $0x800, s25;
	_ =	swait.ge [sflag:s21], $0x4000  }
0x61: {  	[sflag:s21] =	ssyncset.done $0x0  }
0x62: {  	[sflag:s21] =	ssyncadd.s32 $0xFFFFC000  }
0x63: {  	[spmem:s3] =	stream.indirect.scatter.add.f32 [tilespmem:s16], [sflag:$0x3], $0x80, s18, s18, $0xb8;
	[tilespmem:$0x1C200] =	vst v63  }
0x64: {  	_ =	swait.ge [sflag:s17], $0x4000  }
0x65: {  	s26 =	sadd.s32 s26, s15;
	[sflag:s17] =	ssyncset.done $0x0  }
0x66: {  	s28 =	sadd.s32 $0x13800, s26;
	[sflag:s17] =	ssyncadd.s32 $0xFFFFC000  }
0x67: {  	[tilespmem:s4], [sflag:$0x3] =	stream.linear.gather [hbm4b:s28+s4], $0x100, $0x38;
	[tilespmem:$0x1C200] =	vst v63  }
0x68: {  	_ =	swait.ge [sflag:s17], $0x100  }
0x69: {  	[sflag:s17] =	ssyncset.done $0x0  }
0x6a: {  	[sflag:s17] =	ssyncadd.s32 $0xFFFFFF00  }
0x6b: {  	[tilespmem:s16], [sflag:$0x1] =	stream.indirect.gather [hbm4b:s1+s18], $0x80, s4, s18, $0xb8;
	[tilespmem:$0x1C200] =	vst v63  }
0x6c: {  	_ =	swait.ge [sflag:s22], $0x4000  }
0x6d: {  	[sflag:s22] =	ssyncset.done $0x0  }
0x6e: {  	[sflag:s22] =	ssyncadd.s32 $0xFFFFC000  }
0x6f: {  	[spmem:s3] =	stream.indirect.scatter.add.f32 [tilespmem:s20], [sflag:$0x3], $0x80, s23, s18, $0xb8;
	[tilespmem:$0x1C200] =	vst v63  }
0x70: {  	_ =	swait.ge [sflag:s17], $0x4000  }
0x71: {  	[sflag:s17] =	ssyncset.done $0x0  }
.Ltmp1:
0x72: {  	s26 =	sadd.s32 $0x13C00, s26;
	[sflag:s17] =	ssyncadd.s32 $0xFFFFC000;
	(pc) =	sbr.rel @p2 .LBB2_4-.Ltmp1, $4  }
0x73: {  	[tilespmem:s19], [sflag:$0x3] =	stream.linear.gather [hbm4b:s26+s4], $0x100, $0x38;
	[tilespmem:$0x1C200] =	vst v63  }
0x74: {  	_ =	swait.ge [sflag:s17], $0x100  }
0x75: {  	[sflag:s17] =	ssyncset.done $0x0  }
0x76: {  	[sflag:s17] =	ssyncadd.s32 $0xFFFFFF00  }
0x77: {  	[tilespmem:s20], [sflag:$0x2] =	stream.indirect.gather [hbm4b:s1+s18], $0x80, s19, s18, $0xb8;
	[tilespmem:$0x1C200] =	vst v63  }
0x78: {  	_ =	swait.ge [sflag:s21], $0x4000  }
0x79: {  	[sflag:s21] =	ssyncset.done $0x0  }
0x7a: {  	[sflag:s21] =	ssyncadd.s32 $0xFFFFC000  }
0x7b: {  	[spmem:s3] =	stream.indirect.scatter.add.f32 [tilespmem:s16], [sflag:$0x3], $0x80, s18, s18, $0xb8;
	[tilespmem:$0x1C200] =	vst v63  }
0x7c: {  	_ =	swait.ge [sflag:s17], $0x4000  }
0x7d: {  	[sflag:s17] =	ssyncset.done $0x0  }
0x7e: {  	s25 =	simm.s32 @!p0 $0x0;
	s26 =	simm.s32 @!p0 $0x3;
	[sflag:s17] =	ssyncadd.s32 $0xFFFFC000  }
0x7f: {  	[tilespmem:s25], [sflag:$0x3] =	stream.linear.gather @!p0 [hbm4b:s14+s25], $0x100, $0x38;
	[tilespmem:$0x1C200] =	vst v63  }
0x80: {  	_ =	swait.ge @!p0 [sflag:s26], $0x100  }
0x81: {  	[sflag:s26] =	ssyncset.done @!p0 $0x0  }
0x82: {  	s28 =	simm.s32 @!p0 $0x200;
	[sflag:s26] =	ssyncadd.s32 @!p0 $0xFFFFFF00;
	s26 =	simm.s32 @!p0 $0x80  }
0x83: {  	[tilespmem:s28], [sflag:$0x1] =	stream.indirect.gather @!p0 [hbm4b:s1+s26], $0x80, s25, s26, $0xb8;
	[tilespmem:$0x1C200] =	vst v63  }
0x84: {  	_ =	swait.ge [sflag:s22], $0x4000  }
0x85: {  	[sflag:s22] =	ssyncset.done $0x0  }
0x86: {  	[sflag:s22] =	ssyncadd.s32 $0xFFFFC000  }
0x87: {  	[spmem:s3] =	stream.indirect.scatter.add.f32 [tilespmem:s20], [sflag:$0x3], $0x80, s23, s18, $0xb8;
	[tilespmem:$0x1C200] =	vst v63  }
0x88: {  	_ =	swait.ge [sflag:s17], $0x4000  }
0x89: {  	[sflag:s17] =	ssyncset.done $0x0  }
0x8a: {  	s25 =	simm.s32 @!p1 $0x1;
	[sflag:s17] =	ssyncadd.s32 $0xFFFFC000  }
0x8b: {  	_ =	swait.ge @!p1 [sflag:s25], $0x4000  }
0x8c: {  	[sflag:s25] =	ssyncset.done @!p1 $0x0  }
0x8d: {  	s26 =	simm.s32 @!p1 $0x200;
	[sflag:s25] =	ssyncadd.s32 @!p1 $0xFFFFC000;
	s25 =	simm.s32 @!p1 $0x80  }
0x8e: {  	[spmem:s3] =	stream.indirect.scatter.add.f32 @!p1 [tilespmem:s26], [sflag:$0x3], $0x80, s25, s25, $0xb8;
	[tilespmem:$0x1C200] =	vst v63  }
0x8f: {  	s25 =	simm.s32 @!p1 $0x3  }
0x90: {  	_ =	swait.ge @!p1 [sflag:s25], $0x4000  }
0x91: {  	s30 =	sshll.u32 s2, $0x6;
	s24 =	sadd.s32 $0x1, s24;
	[sflag:s25] =	ssyncset.done @!p1 $0x0  }
0x92: {  	s31 =	sshrl.u32 s6, $0x3;
	p2 =	sne.s32 s24, s9;
	[sflag:s25] =	ssyncadd.s32 @!p1 $0xFFFFC000  }
.Ltmp2:
0x93: {  	s25 =	sor.u32 $0x1C03, s30;
	[bflag:$0x0] =	sbarrier.arrive $0xFFFF;
	(pc) =	sbr.rel @p2 .LBB2_1-.Ltmp2, $4  }
0x94: {  	[hbm:s8], [sflag:s25] =	dma.local [spmem:s31], $0x2800  }
0x95: {  	_ =	swait.ge [sflag:s17], $0x2800  }
0x96: {  	[sflag:s17] =	ssyncset.done $0x0  }
0x97: {  	[sflag:s17] =	ssyncadd.s32 $0xFFFFD800  }
0x98: {  	_ =	sfence.sel $0x180000  }
0x99: {  	[bflag:$0x0] =	sbarrier.arrive $0xFFFF  }
0x9a: {  	p0 =	sne.s32 s2, $0x0;
	_ =	strace $0x9000004A  }
0x9b: {  	s0 =	sadd.s32 @!p0 $0x100000, s0;
	[bflag:$0x2] =	sbarrier.arrive $0xFFFF  }
0x9c: {  	[sflag:s0] =	ssyncadd.tile.s32 @!p0 $0x1;
	_ =	shalt  }
.Lfunc_end2:
_tile_overlayer_lowered:
.L_overlay_start_2:
0x9d: {  	(tag) =	ssettag $0x2  }
0x9e: {  	s0 =	rddreg [dreg:$0x0];
	s2 =	stileid.u32  }
0x9f: {  	s1 =	rddreg [dreg:$0x1];
	p0 =	sne.s32 s2, $0x0  }
0xa0: {  	s3 =	rddreg [dreg:$0x2];
	[bflag:$0x3] =	sbarrier.arrive $0xFFFF;
	s2 =	simm.s32 @!p0 $0x1C03  }
0xa1: {  	[timem:s3], [sflag:s2] =	dma.local @!p0 [hbm:s0], s1  }
0xa2: {  	s0 =	simm.s32 @!p0 $0x3  }
0xa3: {  	_ =	swait.ge @!p0 [sflag:s0], s1  }
0xa4: {  	s1 =	ssub.s32 @!p0 $0x0, s1;
	[sflag:s0] =	ssyncset.done @!p0 $0x0  }
0xa5: {  	[sflag:s0] =	ssyncadd.s32 @!p0 s1  }
0xa6: {  	[bflag:$0x3] =	sbarrier.arrive $0xFFFF  }
0xa7: {  	_ =	shalt  }

// kernel: kernel.15.cloned.1.call-start
scs
__scs_entry_jumppad:
0x0: {  	(pc) =	sbr.rel $0x88, $3  }
0x1: {  	(tag) =	ssettag $0x0;
	lr =	simm.s32 $0x1  }
0x2: {  	[smem:$0x3F97] =	sst lr;
	_ =	strace $0xD0000000  }
0x3: {  	_ = 	snop  }
0x4: {  	_ = 	snop  }
0x5: {  	_ = 	snop  }
0x6: {  	_ = 	snop  }
0x7: {  	_ = 	snop  }
__scs_overlays_trampoline_lowered:
0x8: {  	[smem:$0x3FA6] =	sst s0  }
0x9: {  	[smem:$0x3FA7] =	sst s1  }
0xa: {  	[smem:$0x3FA8] =	sst s2  }
0xb: {  	[smem:$0x3FA9] =	sst s3  }
0xc: {  	[smem:$0x3FAA] =	sst s4  }
0xd: {  	[smem:$0x3FAB] =	sst s5  }
0xe: {  	[smem:$0x3FAC] =	sst s6  }
0xf: {  	[smem:$0x3FAD] =	sst s7  }
0x10: {  	[smem:$0x3FAE] =	sst s8  }
0x11: {  	[smem:$0x3FAF] =	sst s9;
	s0 =	simm.s32 @!p0 $0x0  }
0x12: {  	s1 =	sld [smem:$0x3F95];
	s0 =	simm.s32 @p0 $0x1  }
0x13: {  	[smem:$0x3FB0] =	sst s0;
	s0 =	simm.s32 @!p1 $0x0  }
0x14: {  	s2 =	sld [smem:$0x3F94];
	s0 =	simm.s32 @p1 $0x1  }
0x15: {  	[smem:$0x3FB1] =	sst s0;
	s0 =	simm.s32 @!p2 $0x0  }
0x16: {  	s3 =	sld [smem:$0x3FDB];
	s0 =	simm.s32 @p2 $0x1  }
0x17: {  	s4 =	simm.s32 $0x1BF5;
	[smem:$0x3FB3] =	sst s0  }
0x18: {  	s0 =	sld [smem:$0x3F96];
	_ =	swait.ge [sflag:s4], $0x0  }
0x19: {  	s7 =	sld [smem:$0x3F97]  }
0x1a: {  	s8 =	sadd.s32 $0xFFFFE003, lr  }
0x1b: {  	s9 =	sadd.s32 $0xFFFFFEF7, lr;
	s5 =	simm.s32 $0xFFFFFFFF;
	p2 =	slt.u32 s8, $0xFFFFF086  }
0x1c: {  	p1 =	slt.u32 s9, $0xF7A;
	s5 =	simm.s32 @!p2 $0x0  }
0x1d: {  	s5 =	simm.s32 @p1 $0x1;
	p0 =	seq.s32 s7, s2  }
0x1e: {  	s7 =	smul.u32 @!p0 $0xF7A, s2;
	p2 =	seq.s32 @!p0 s5, $0x0  }
0x1f: {  	s9 =	smul.u32 $0xF7A, s1;
	s8 =	simm.s32 @!p0 $0x1BF5;
	p2 =	por !p2, p0  }
0x20: {  	[sflag:s8] =	ssyncset.s32 @!p0 $0xFFFFF086;
	s6 =	sadd.s32 @!p0 s3, s7;
	s7 =	simm.s32 @!p0 $0x108  }
0x21: {  	s3 =	sadd.s32 s3, s9;
	s6 =	sadd.s32 @!p0 $0x88, s6;
	s7 =	simm.s32 @p2 $0x1082  }
0x22: {  	[simem:s7], [sflag:s8] =	dma.local @!p0 [hbm:s6], $0xF7A  }
0x23: {  	s9 =	sor.u32 $0xD0000000, s2;
	s6 =	simm.s32 $0x108;
	_ =	swait.ge @!p0 [sflag:s8], $0x0  }
0x24: {  	s3 =	sadd.s32 $0x88, s3;
	s6 =	simm.s32 @!p1 $0x1082;
	[sflag:s4] =	ssyncset.s32 $0xFFFFF086  }
0x25: {  	[simem:s6], [sflag:s4] =	dma.local [hbm:s3], $0xF7A  }
0x26: {  	[smem:$0x3F97] =	sst s1;
	(tag) =	ssettag s2;
	_ =	strace s9  }
0x27: {  	s1 =	sld [smem:$0x3FA7]  }
0x28: {  	s2 =	sld [smem:$0x3FA8]  }
0x29: {  	s4 =	sld [smem:$0x3FAA]  }
0x2a: {  	p0 =	seq.s32 s5, $0x0;
	s5 =	sld [smem:$0x3FAB]  }
0x2b: {  	s6 =	sld [smem:$0x3FAC]  }
0x2c: {  	s7 =	sld [smem:$0x3FAD]  }
0x2d: {  	s3 =	simm.s32 $0x108;
	s8 =	sld [smem:$0x3FAE]  }
0x2e: {  	s3 =	simm.s32 @!p0 $0x1082;
	s9 =	sld [smem:$0x3FAF]  }
0x2f: {  	lr =	sadd.s32 s0, s3;
	s0 =	sld [smem:$0x3FA6]  }
0x30: {  	s3 =	sld [smem:$0x3FA9]  }
0x31: {  	[smem:$0x3FB2] =	sst s10  }
0x32: {  	s10 =	sld [smem:$0x3FB0];
	_ =	sdelay $0x3  }
0x33: {  	p0 =	seq.s32 s10, $0x1;
	s10 =	sld [smem:$0x3FB2];
	_ =	sdelay $0x3  }
0x34: {  	[smem:$0x3FB2] =	sst s10  }
0x35: {  	s10 =	sld [smem:$0x3FB1];
	_ =	sdelay $0x3  }
0x36: {  	p1 =	seq.s32 s10, $0x1;
	s10 =	sld [smem:$0x3FB2];
	_ =	sdelay $0x3  }
0x37: {  	[smem:$0x3FB2] =	sst s10  }
0x38: {  	s10 =	sld [smem:$0x3FB3]  }
0x39: {  	_ = 	snop;
	(pc) =	sbr.ind lr, $3  }
0x3a: {  	_ = 	snop  }
0x3b: {  	_ = 	snop  }
0x3c: {  	p2 =	seq.s32 s10, $0x1;
	s10 =	sld [smem:$0x3FB2]  }
0x3d: {  	_ =	shalt  }
0x3e: {  	_ =	shalt  }
0x3f: {  	_ =	shalt  }
0x40: {  	_ =	shalt  }
0x41: {  	_ =	shalt  }
0x42: {  	_ =	shalt  }
0x43: {  	_ =	shalt  }
0x44: {  	_ =	shalt  }
0x45: {  	_ =	shalt  }
0x46: {  	_ =	shalt  }
0x47: {  	_ =	shalt  }
0x48: {  	_ =	shalt  }
0x49: {  	_ =	shalt  }
0x4a: {  	_ =	shalt  }
0x4b: {  	_ =	shalt  }
0x4c: {  	_ =	shalt  }
0x4d: {  	_ =	shalt  }
0x4e: {  	_ =	shalt  }
0x4f: {  	_ =	shalt  }
0x50: {  	_ =	shalt  }
0x51: {  	_ =	shalt  }
0x52: {  	_ =	shalt  }
0x53: {  	_ =	shalt  }
0x54: {  	_ =	shalt  }
0x55: {  	_ =	shalt  }
0x56: {  	_ =	shalt  }
0x57: {  	_ =	shalt  }
0x58: {  	_ =	shalt  }
0x59: {  	_ =	shalt  }
0x5a: {  	_ =	shalt  }
0x5b: {  	_ =	shalt  }
0x5c: {  	_ =	shalt  }
0x5d: {  	_ =	shalt  }
0x5e: {  	_ =	shalt  }
0x5f: {  	_ =	shalt  }
0x60: {  	_ =	shalt  }
0x61: {  	_ =	shalt  }
0x62: {  	_ =	shalt  }
0x63: {  	_ =	shalt  }
0x64: {  	_ =	shalt  }
0x65: {  	_ =	shalt  }
0x66: {  	_ =	shalt  }
0x67: {  	_ =	shalt  }
0x68: {  	_ =	shalt  }
0x69: {  	_ =	shalt  }
0x6a: {  	_ =	shalt  }
0x6b: {  	_ =	shalt  }
0x6c: {  	_ =	shalt  }
0x6d: {  	_ =	shalt  }
0x6e: {  	_ =	shalt  }
0x6f: {  	_ =	shalt  }
0x70: {  	_ =	shalt  }
0x71: {  	_ =	shalt  }
0x72: {  	_ =	shalt  }
0x73: {  	_ =	shalt  }
0x74: {  	_ =	shalt  }
0x75: {  	_ =	shalt  }
0x76: {  	_ =	shalt  }
0x77: {  	_ =	shalt  }
0x78: {  	_ =	shalt  }
0x79: {  	_ =	shalt  }
0x7a: {  	_ =	shalt  }
0x7b: {  	_ =	shalt  }
0x7c: {  	_ =	shalt  }
0x7d: {  	_ =	shalt  }
0x7e: {  	_ =	shalt  }
0x7f: {  	_ =	shalt  }
0x80: {  	_ =	shalt  }
0x81: {  	_ =	shalt  }
0x82: {  	_ =	shalt  }
0x83: {  	_ =	shalt  }
0x84: {  	_ =	shalt  }
0x85: {  	_ =	shalt  }
0x86: {  	_ =	shalt  }
0x87: {  	_ =	shalt  }
.Lfunc_end0:
.L_simem_size_0:
called_computation.2_lowered:
.L_overlay_start_0:
0x88: {  	s2 =	sld [smem:$0x3FD9]  }
0x89: {  	s3 =	sld [smem:$0x3FFE];
	_ =	sdelay $0x1  }
0x8a: {  	s1 =	srdreg.scid  }
0x8b: {  	s0 =	sand.u32 $0x1, s1  }
0x8c: {  	s17 =	sshll.u32 s0, $0xA;
	s2 =	sadd.s32 s3, s2  }
0x8d: {  	s2 =	sadd.s32 s2, s17  }
0x8e: {  	[smem:$0x3FBE] =	sst s2  }
0x8f: {  	_ = 	snop  }
0x90: {  	s2 =	sld [smem:$0x3FC8]  }
0x91: {  	s18 =	sld [smem:$0x3FD0];
	(tm) =	ssettm $0x1  }
0x92: {  	s4 =	sld [smem:$0x3FFB];
	_ =	sdelay $0x3  }
0x93: {  	_ =	strace s4  }
0x94: {  	s4 =	sld [smem:$0x3FFC];
	_ =	sdelay $0x3  }
0x95: {  	_ =	strace s4  }
0x96: {  	s4 =	sld [smem:$0x3FFD];
	_ =	sdelay $0x3  }
0x97: {  	_ =	strace s4  }
0x98: {  	_ =	strace $0x8FFFFFFF  }
0x99: {  	s19 =	sld [smem:$0x3FDB];
	_ =	sdelay $0x1  }
0x9a: {  	s5 =	simm.s32 $_scs_section_size  }
0x9b: {  	s6 =	simm.s32 $_size__tile_overlayer_lowered;
	s7 =	simm.s32 $_tile_overlayer_lowered  }
0x9c: {  	s22 =	simm.s32 $0x1BFF;
	s21 =	sshll.u32 s7, $0x1;
	s4 =	sadd.s32 s5, s19  }
0x9d: {  	s8 =	simm.s32 $0x0;
	s20 =	sshll.u32 s6, $0x1;
	s6 =	sadd.s32 s21, s4  }
0x9e: {  	[timem:s8], [sflag:s22] =	dma.local [hbm:s6], s20  }
0x9f: {  	_ =	swait.ge [sflag:s22], s20  }
0xa0: {  	s5 =	ssub.s32 $0x0, s20;
	[sflag:s22] =	ssyncset.done $0x0  }
0xa1: {  	[sflag:s22] =	ssyncadd.s32 s5;
	_ =	sdelay $0x1  }
0xa2: {  	s23 =	simm.s32 $0x1B8B  }
0xa3: {  	_ =	swait.ge [sflag:s23], $0x1  }
0xa4: {  	[sflag:s23] =	ssyncset.done $0x0  }
0xa5: {  	s25 =	simm.s32 $0x1B8E;
	s24 =	sld [smem:$0x3FFE];
	[sflag:s23] =	ssyncadd.s32 $0xFFFFFFFF  }
0xa6: {  	s26 =	simm.s32 $execute0_lowered;
	[smem:$0x3FD2] =	sst s25  }
0xa7: {  	s6 =	sshll.u32 s26, $0x1;
	_ =	strace $0x8000004C;
	[dreg:$0x1] =	wrdreg $0xFFFFFFFF  }
0xa8: {  	s28 =	simm.s32 $_size_execute0_lowered;
	s4 =	sadd.s32 s4, s6;
	[dreg:$0x0] =	wrdreg $0x0  }
0xa9: {  	s6 =	sshll.u32 s28, $0x1;
	[dreg:$0x2] =	wrdreg s4  }
0xaa: {  	[dreg:$0x3] =	wrdreg s6  }
0xab: {  	[dreg:$0x4] =	wrdreg $0xC0  }
0xac: {  	_ =	task [dreg:s8], $0x5FFFF  }
0xad: {  	[dreg:$0x1] =	wrdreg $0xFFFFFFFF  }
0xae: {  	[dreg:$0x0] =	wrdreg $0x60  }
0xaf: {  	[dreg:$0x2] =	wrdreg s18  }
0xb0: {  	[dreg:$0x3] =	wrdreg s2  }
0xb1: {  	[dreg:$0x4] =	wrdreg s24  }
0xb2: {  	[dreg:$0x5] =	wrdreg $0x82000  }
0xb3: {  	[dreg:$0x6] =	wrdreg $0x9  }
0xb4: {  	_ =	task.clear_ibuf [dreg:s8], $0x7FFFF;
	_ =	strace $0x9000004C  }
0xb5: {  	s29 =	simm.s32 $0x9;
	_ =	strace $0x8000004E  }
0xb6: {  	_ =	swait.ge [sflag:s29], $0x1  }
0xb7: {  	[sflag:s29] =	ssyncadd.s32 $0xFFFFFFFF  }
0xb8: {  	_ =	strace $0x9000004E  }
0xb9: {  	_ =	sfence  }
0xba: {  	s30 =	sld [smem:$0x0];
	_ =	sdelay $0x2  }
0xbb: {  	s31 =	sshll.u32 s1, $0xD;
	s1 =	sshrl.u32 s1, $0x2  }
0xbc: {  	s3 =	sand.u32 $0x4000, s31;
	s1 =	sadd.s32 s1, s30  }
0xbd: {  	s0 =	sor.u32 s3, s0;
	s1 =	sshll.u32 s1, $0x11  }
0xbe: {  	s0 =	sor.u32 s1, s0  }
0xbf: {  	s0 =	sadd.s32 $0x8F2B, s0  }
0xc0: {  	[sflag:s0] =	ssyncadd.remote.s32 $0x1  }
0xc1: {  	_ =	sfence.sel $0xFFFF  }
0xc2: {  	[dreg:$0x0] =	wrdreg $0xFFFFFFFF;
	(pc) =	sbr.abs _section_cstart, $3  }
0xc3: {  	[dreg:$0x1] =	wrdreg $0xFFFFFFFF  }
0xc4: {  	_ =	task.clear_ibuf [dreg:s8], $0x2FFFF;
	_ =	strace $0x9FFFFFFF  }
0xc5: {  	(tm) =	ssettm $0x7FFFFFFF  }
tec
execute0_lowered:
.L_overlay_start_1:
0x0: {  	(tag) =	ssettag $0x1  }
0x1: {  	s1 =	rddreg [dreg:$0x0]  }
0x2: {  	s15 =	rddreg [dreg:$0x1]  }
0x3: {  	s5 =	rddreg [dreg:$0x2]  }
0x4: {  	s3 =	rddreg [dreg:$0x3]  }
0x5: {  	s0 =	rddreg [dreg:$0x4]  }
0x6: {  	s6 =	srdreg.scid;
	s2 =	stileid.u32  }
0x7: {  	s4 =	simm.s32 $0x0;
	s18 =	simm.s32 $0x80;
	s19 =	simm.s32 $0x100  }
0x8: {  	s20 =	simm.s32 $0x4200;
	s21 =	simm.s32 $0x1;
	s23 =	smul.u32 $0x2800, s2  }
0x9: {  	s22 =	simm.s32 $0x2;
	s14 =	sand.u32 $0x1, s6;
	s25 =	smul.u32 $0x50000, s2  }
0xa: {  	[smem:$0x7FF] =	sst s4;
	s31 =	sshll.u32 s2, $0x5;
	s7 =	smul.u32 $0x28000, s14  }
0xb: {  	_ =	strace $0x8000004D;
	s24 =	ssub.s32 $0x2, s14;
	s8 =	sshll.u32 s14, $0x4  }
0xc: {  	s30 =	sshll.u32 s14, $0x9;
	s9 =	sshrl.u32 s24, $0x1;
	s16 =	sor.u32 s2, s8  }
0xd: {  	s28 =	sshrl.u32 s25, $0x2;
	s6 =	sadd.s32 s23, s7;
	s9 =	ssub.s32 s24, s9  }
0xe: {  	s26 =	sshll.u32 s16, $0x5;
	s24 =	sor.u32 $0x980, s16;
	s25 =	sor.u32 $0x9C0, s16  }
0xf: {  	s16 =	simm.s32 $0x200;
	s23 =	simm.s32 $0x180;
	s10 =	sadd.s32 s6, s5  }
0x10: {  	s5 =	sadd.s32 s15, s26;
	s6 =	sadd.s32 s28, s3;
	s29 =	sshll.u32 s24, $0x5  }
0x11: {  	s9 =	smax.u32 s9, $0x1;
	p0 =	sgt.u32 s24, $0x983;
	p1 =	sgt.u32 s25, $0x9C3  }
0x12: {  	s24 =	simm.s32 $0x0;
	s7 =	sadd.s32 $0x400, s5;
	s17 =	sadd.s32 s29, s15  }
0x13: {  	s8 =	sadd.s32 $0x3600, s10;
	s10 =	sadd.s32 $0x4000, s6;
	s11 =	sadd.s32 $0x8000, s6  }
0x14: {  	s12 =	sadd.s32 $0xC000, s6;
	s13 =	sadd.s32 $0x10000, s6;
	s15 =	sadd.s32 s30, s15  }
0x15: {  	v0 =	vimm.f32 $0.0e+00;
	s14 =	sadd.s32 $0x800, s17;
	s15 =	sadd.s32 s31, s15;
	s17 =	simm.s32 $0x3  }
.LBB2_1:
0x16: {  	s25 =	simm.s32 $0x0;
	s26 =	simm.s32 $0x200  }
.LBB2_2:
0x17: {  	p2 =	sne.s32 s26, $0xFE00;
	[tilespmem:s25+$0x270] =	vst v0  }
0x18: {  	[tilespmem:s25+$0x200] =	vst v0  }
0x19: {  	[tilespmem:s25+$0x210] =	vst v0  }
.Ltmp0:
0x1a: {  	[tilespmem:s25+$0x220] =	vst v0;
	(pc) =	sbr.rel @p2 .LBB2_2-.Ltmp0, $4  }
0x1b: {  	[tilespmem:s25+$0x230] =	vst v0  }
0x1c: {  	[tilespmem:s25+$0x240] =	vst v0  }
0x1d: {  	[tilespmem:s25+$0x250] =	vst v0  }
0x1e: {  	[tilespmem:s25+$0x260] =	vst v0;
	s25 =	sshra.s32 s26, $0x2;
	s26 =	sadd.s32 $0x200, s26  }
0x1f: {  	[tilespmem:s25+$0x270] =	vst v0  }
0x20: {  	[tilespmem:s25+$0x200] =	vst v0  }
0x21: {  	[tilespmem:s25+$0x210] =	vst v0  }
0x22: {  	[tilespmem:s25+$0x220] =	vst v0  }
0x23: {  	[tilespmem:s25+$0x230] =	vst v0  }
0x24: {  	[tilespmem:s25+$0x240] =	vst v0  }
0x25: {  	[tilespmem:s25+$0x250] =	vst v0  }
0x26: {  	[tilespmem:s25+$0x260] =	vst v0  }
0x27: {  	[spmem:s6] =	stream.linear.scatter [tilespmem:s16], [sflag:$0x3], $0x4000, $0x38;
	[tilespmem:$0x1C200] =	vst v63  }
0x28: {  	_ =	swait.ge [sflag:s17], $0x4000  }
0x29: {  	[sflag:s17] =	ssyncset.done $0x0  }
0x2a: {  	[sflag:s17] =	ssyncadd.s32 $0xFFFFC000  }
0x2b: {  	[spmem:s10] =	stream.linear.scatter [tilespmem:s16], [sflag:$0x3], $0x4000, $0x38;
	[tilespmem:$0x1C200] =	vst v63  }
0x2c: {  	_ =	swait.ge [sflag:s17], $0x4000  }
0x2d: {  	[sflag:s17] =	ssyncset.done $0x0  }
0x2e: {  	[sflag:s17] =	ssyncadd.s32 $0xFFFFC000  }
0x2f: {  	[spmem:s11] =	stream.linear.scatter [tilespmem:s16], [sflag:$0x3], $0x4000, $0x38;
	[tilespmem:$0x1C200] =	vst v63  }
0x30: {  	_ =	swait.ge [sflag:s17], $0x4000  }
0x31: {  	[sflag:s17] =	ssyncset.done $0x0  }
0x32: {  	[sflag:s17] =	ssyncadd.s32 $0xFFFFC000  }
0x33: {  	[spmem:s12] =	stream.linear.scatter [tilespmem:s16], [sflag:$0x3], $0x4000, $0x38;
	[tilespmem:$0x1C200] =	vst v63  }
0x34: {  	_ =	swait.ge [sflag:s17], $0x4000  }
0x35: {  	[sflag:s17] =	ssyncset.done $0x0  }
0x36: {  	[sflag:s17] =	ssyncadd.s32 $0xFFFFC000  }
0x37: {  	[spmem:s13] =	stream.linear.scatter [tilespmem:s16], [sflag:$0x3], $0x4000, $0x38;
	[tilespmem:$0x1C200] =	vst v63  }
0x38: {  	_ =	swait.ge [sflag:s17], $0x4000  }
0x39: {  	[sflag:s17] =	ssyncset.done $0x0  }
0x3a: {  	[sflag:s17] =	ssyncadd.s32 $0xFFFFC000  }
0x3b: {  	[bflag:$0x0] =	sbarrier.arrive $0xFFFF  }
0x3c: {  	[tilespmem:s4], [sflag:$0x3] =	stream.linear.gather [hbm4b:s5+s4], $0x100, $0x38;
	[tilespmem:$0x1C200] =	vst v63  }
0x3d: {  	_ =	swait.ge [sflag:s17], $0x100  }
0x3e: {  	[sflag:s17] =	ssyncset.done $0x0  }
0x3f: {  	[sflag:s17] =	ssyncadd.s32 $0xFFFFFF00  }
0x40: {  	[tilespmem:s16], [sflag:$0x1] =	stream.indirect.gather [hbm4b:s1+s18], $0x80, s4, s18, $0xb8;
	[tilespmem:$0x1C200] =	vst v63  }
0x41: {  	_ = 	snop  }
0x42: {  	[tilespmem:s19], [sflag:$0x3] =	stream.linear.gather [hbm4b:s7+s4], $0x100, $0x38;
	[tilespmem:$0x1C200] =	vst v63  }
0x43: {  	_ =	swait.ge [sflag:s17], $0x100  }
0x44: {  	[sflag:s17] =	ssyncset.done $0x0  }
0x45: {  	[sflag:s17] =	ssyncadd.s32 $0xFFFFFF00  }
0x46: {  	[tilespmem:s20], [sflag:$0x2] =	stream.indirect.gather [hbm4b:s1+s18], $0x80, s19, s18, $0xb8;
	[tilespmem:$0x1C200] =	vst v63  }
0x47: {  	_ =	swait.ge [sflag:s21], $0x4000  }
0x48: {  	[sflag:s21] =	ssyncset.done $0x0  }
0x49: {  	[sflag:s21] =	ssyncadd.s32 $0xFFFFC000  }
0x4a: {  	[spmem:s3] =	stream.indirect.scatter.add.f32 [tilespmem:s16], [sflag:$0x3], $0x80, s18, s18, $0xb8;
	[tilespmem:$0x1C200] =	vst v63  }
0x4b: {  	_ =	swait.ge [sflag:s17], $0x4000  }
0x4c: {  	s31 =	sadd.s32 $0xFFFED000, s15;
	[sflag:s17] =	ssyncset.done $0x0  }
0x4d: {  	s26 =	sadd.s32 $0x13800, s31;
	[sflag:s17] =	ssyncadd.s32 $0xFFFFC000  }
0x4e: {  	[tilespmem:s4], [sflag:$0x3] =	stream.linear.gather [hbm4b:s26+s4], $0x100, $0x38;
	[tilespmem:$0x1C200] =	vst v63  }
0x4f: {  	_ =	swait.ge [sflag:s17], $0x100  }
0x50: {  	[sflag:s17] =	ssyncset.done $0x0  }
0x51: {  	[sflag:s17] =	ssyncadd.s32 $0xFFFFFF00  }
0x52: {  	[tilespmem:s16], [sflag:$0x1] =	stream.indirect.gather [hbm4b:s1+s18], $0x80, s4, s18, $0xb8;
	[tilespmem:$0x1C200] =	vst v63  }
0x53: {  	_ =	swait.ge [sflag:s22], $0x4000  }
0x54: {  	[sflag:s22] =	ssyncset.done $0x0  }
0x55: {  	[sflag:s22] =	ssyncadd.s32 $0xFFFFC000  }
0x56: {  	[spmem:s3] =	stream.indirect.scatter.add.f32 [tilespmem:s20], [sflag:$0x3], $0x80, s23, s18, $0xb8;
	[tilespmem:$0x1C200] =	vst v63  }
0x57: {  	_ =	swait.ge [sflag:s17], $0x4000  }
0x58: {  	[sflag:s17] =	ssyncset.done $0x0  }
0x59: {  	s25 =	sadd.s32 $0x13C00, s31;
	[sflag:s17] =	ssyncadd.s32 $0xFFFFC000  }
0x5a: {  	[tilespmem:s19], [sflag:$0x3] =	stream.linear.gather [hbm4b:s25+s4], $0x100, $0x38;
	[tilespmem:$0x1C200] =	vst v63  }
0x5b: {  	_ =	swait.ge [sflag:s17], $0x100  }
0x5c: {  	[sflag:s17] =	ssyncset.done $0x0  }
0x5d: {  	s25 =	simm.s32 $0xFFFED800;
	[sflag:s17] =	ssyncadd.s32 $0xFFFFFF00  }
.LBB2_4:
0x5e: {  	[tilespmem:s20], [sflag:$0x2] =	stream.indirect.gather [hbm4b:s1+s18], $0x80, s19, s18, $0xb8;
	[tilespmem:$0x1C200] =	vst v63  }
0x5f: {  	s26 =	smov.u32 s25  }
0x60: {  	p2 =	sne.s32 s25, $0xFFFFF800;
	s25 =	sadd.s32 $0x800, s25;
	_ =	swait.ge [sflag:s21], $0x4000  }
0x61: {  	[sflag:s21] =	ssyncset.done $0x0  }
0x62: {  	[sflag:s21] =	ssyncadd.s32 $0xFFFFC000  }
0x63: {  	[spmem:s3] =	stream.indirect.scatter.add.f32 [tilespmem:s16], [sflag:$0x3], $0x80, s18, s18, $0xb8;
	[tilespmem:$0x1C200] =	vst v63  }
0x64: {  	_ =	swait.ge [sflag:s17], $0x4000  }
0x65: {  	s26 =	sadd.s32 s26, s15;
	[sflag:s17] =	ssyncset.done $0x0  }
0x66: {  	s28 =	sadd.s32 $0x13800, s26;
	[sflag:s17] =	ssyncadd.s32 $0xFFFFC000  }
0x67: {  	[tilespmem:s4], [sflag:$0x3] =	stream.linear.gather [hbm4b:s28+s4], $0x100, $0x38;
	[tilespmem:$0x1C200] =	vst v63  }
0x68: {  	_ =	swait.ge [sflag:s17], $0x100  }
0x69: {  	[sflag:s17] =	ssyncset.done $0x0  }
0x6a: {  	[sflag:s17] =	ssyncadd.s32 $0xFFFFFF00  }
0x6b: {  	[tilespmem:s16], [sflag:$0x1] =	stream.indirect.gather [hbm4b:s1+s18], $0x80, s4, s18, $0xb8;
	[tilespmem:$0x1C200] =	vst v63  }
0x6c: {  	_ =	swait.ge [sflag:s22], $0x4000  }
0x6d: {  	[sflag:s22] =	ssyncset.done $0x0  }
0x6e: {  	[sflag:s22] =	ssyncadd.s32 $0xFFFFC000  }
0x6f: {  	[spmem:s3] =	stream.indirect.scatter.add.f32 [tilespmem:s20], [sflag:$0x3], $0x80, s23, s18, $0xb8;
	[tilespmem:$0x1C200] =	vst v63  }
0x70: {  	_ =	swait.ge [sflag:s17], $0x4000  }
0x71: {  	[sflag:s17] =	ssyncset.done $0x0  }
.Ltmp1:
0x72: {  	s26 =	sadd.s32 $0x13C00, s26;
	[sflag:s17] =	ssyncadd.s32 $0xFFFFC000;
	(pc) =	sbr.rel @p2 .LBB2_4-.Ltmp1, $4  }
0x73: {  	[tilespmem:s19], [sflag:$0x3] =	stream.linear.gather [hbm4b:s26+s4], $0x100, $0x38;
	[tilespmem:$0x1C200] =	vst v63  }
0x74: {  	_ =	swait.ge [sflag:s17], $0x100  }
0x75: {  	[sflag:s17] =	ssyncset.done $0x0  }
0x76: {  	[sflag:s17] =	ssyncadd.s32 $0xFFFFFF00  }
0x77: {  	[tilespmem:s20], [sflag:$0x2] =	stream.indirect.gather [hbm4b:s1+s18], $0x80, s19, s18, $0xb8;
	[tilespmem:$0x1C200] =	vst v63  }
0x78: {  	_ =	swait.ge [sflag:s21], $0x4000  }
0x79: {  	[sflag:s21] =	ssyncset.done $0x0  }
0x7a: {  	[sflag:s21] =	ssyncadd.s32 $0xFFFFC000  }
0x7b: {  	[spmem:s3] =	stream.indirect.scatter.add.f32 [tilespmem:s16], [sflag:$0x3], $0x80, s18, s18, $0xb8;
	[tilespmem:$0x1C200] =	vst v63  }
0x7c: {  	_ =	swait.ge [sflag:s17], $0x4000  }
0x7d: {  	[sflag:s17] =	ssyncset.done $0x0  }
0x7e: {  	s25 =	simm.s32 @!p0 $0x0;
	s26 =	simm.s32 @!p0 $0x3;
	[sflag:s17] =	ssyncadd.s32 $0xFFFFC000  }
0x7f: {  	[tilespmem:s25], [sflag:$0x3] =	stream.linear.gather @!p0 [hbm4b:s14+s25], $0x100, $0x38;
	[tilespmem:$0x1C200] =	vst v63  }
0x80: {  	_ =	swait.ge @!p0 [sflag:s26], $0x100  }
0x81: {  	[sflag:s26] =	ssyncset.done @!p0 $0x0  }
0x82: {  	s28 =	simm.s32 @!p0 $0x200;
	[sflag:s26] =	ssyncadd.s32 @!p0 $0xFFFFFF00;
	s26 =	simm.s32 @!p0 $0x80  }
0x83: {  	[tilespmem:s28], [sflag:$0x1] =	stream.indirect.gather @!p0 [hbm4b:s1+s26], $0x80, s25, s26, $0xb8;
	[tilespmem:$0x1C200] =	vst v63  }
0x84: {  	_ =	swait.ge [sflag:s22], $0x4000  }
0x85: {  	[sflag:s22] =	ssyncset.done $0x0  }
0x86: {  	[sflag:s22] =	ssyncadd.s32 $0xFFFFC000  }
0x87: {  	[spmem:s3] =	stream.indirect.scatter.add.f32 [tilespmem:s20], [sflag:$0x3], $0x80, s23, s18, $0xb8;
	[tilespmem:$0x1C200] =	vst v63  }
0x88: {  	_ =	swait.ge [sflag:s17], $0x4000  }
0x89: {  	[sflag:s17] =	ssyncset.done $0x0  }
0x8a: {  	s25 =	simm.s32 @!p1 $0x1;
	[sflag:s17] =	ssyncadd.s32 $0xFFFFC000  }
0x8b: {  	_ =	swait.ge @!p1 [sflag:s25], $0x4000  }
0x8c: {  	[sflag:s25] =	ssyncset.done @!p1 $0x0  }
0x8d: {  	s26 =	simm.s32 @!p1 $0x200;
	[sflag:s25] =	ssyncadd.s32 @!p1 $0xFFFFC000;
	s25 =	simm.s32 @!p1 $0x80  }
0x8e: {  	[spmem:s3] =	stream.indirect.scatter.add.f32 @!p1 [tilespmem:s26], [sflag:$0x3], $0x80, s25, s25, $0xb8;
	[tilespmem:$0x1C200] =	vst v63  }
0x8f: {  	s25 =	simm.s32 @!p1 $0x3  }
0x90: {  	_ =	swait.ge @!p1 [sflag:s25], $0x4000  }
0x91: {  	s30 =	sshll.u32 s2, $0x6;
	s24 =	sadd.s32 $0x1, s24;
	[sflag:s25] =	ssyncset.done @!p1 $0x0  }
0x92: {  	s31 =	sshrl.u32 s6, $0x3;
	p2 =	sne.s32 s24, s9;
	[sflag:s25] =	ssyncadd.s32 @!p1 $0xFFFFC000  }
.Ltmp2:
0x93: {  	s25 =	sor.u32 $0x1C03, s30;
	[bflag:$0x0] =	sbarrier.arrive $0xFFFF;
	(pc) =	sbr.rel @p2 .LBB2_1-.Ltmp2, $4  }
0x94: {  	[hbm:s8], [sflag:s25] =	dma.local [spmem:s31], $0x2800  }
0x95: {  	_ =	swait.ge [sflag:s17], $0x2800  }
0x96: {  	[sflag:s17] =	ssyncset.done $0x0  }
0x97: {  	[sflag:s17] =	ssyncadd.s32 $0xFFFFD800  }
0x98: {  	_ =	sfence.sel $0x180000  }
0x99: {  	[bflag:$0x0] =	sbarrier.arrive $0xFFFF  }
0x9a: {  	p0 =	sne.s32 s2, $0x0;
	_ =	strace $0x9000004D  }
0x9b: {  	s0 =	sadd.s32 @!p0 $0x100000, s0;
	[bflag:$0x2] =	sbarrier.arrive $0xFFFF  }
0x9c: {  	[sflag:s0] =	ssyncadd.tile.s32 @!p0 $0x1;
	_ =	shalt  }
.Lfunc_end2:
_tile_overlayer_lowered:
.L_overlay_start_2:
0x9d: {  	(tag) =	ssettag $0x2  }
0x9e: {  	s0 =	rddreg [dreg:$0x0];
	s2 =	stileid.u32  }
0x9f: {  	s1 =	rddreg [dreg:$0x1];
	p0 =	sne.s32 s2, $0x0  }
0xa0: {  	s3 =	rddreg [dreg:$0x2];
	[bflag:$0x3] =	sbarrier.arrive $0xFFFF;
	s2 =	simm.s32 @!p0 $0x1C03  }
0xa1: {  	[timem:s3], [sflag:s2] =	dma.local @!p0 [hbm:s0], s1  }
0xa2: {  	s0 =	simm.s32 @!p0 $0x3  }
0xa3: {  	_ =	swait.ge @!p0 [sflag:s0], s1  }
0xa4: {  	s1 =	ssub.s32 @!p0 $0x0, s1;
	[sflag:s0] =	ssyncset.done @!p0 $0x0  }
0xa5: {  	[sflag:s0] =	ssyncadd.s32 @!p0 s1  }
0xa6: {  	[bflag:$0x3] =	sbarrier.arrive $0xFFFF  }
0xa7: {  	_ =	shalt  }

// kernel: kernel.9.cloned.1.call-start
scs
__scs_entry_jumppad:
0x0: {  	(pc) =	sbr.rel $0x88, $3  }
0x1: {  	(tag) =	ssettag $0x0;
	lr =	simm.s32 $0x1  }
0x2: {  	[smem:$0x3F97] =	sst lr;
	_ =	strace $0xD0000000  }
0x3: {  	_ = 	snop  }
0x4: {  	_ = 	snop  }
0x5: {  	_ = 	snop  }
0x6: {  	_ = 	snop  }
0x7: {  	_ = 	snop  }
__scs_overlays_trampoline_lowered:
0x8: {  	[smem:$0x3FA6] =	sst s0  }
0x9: {  	[smem:$0x3FA7] =	sst s1  }
0xa: {  	[smem:$0x3FA8] =	sst s2  }
0xb: {  	[smem:$0x3FA9] =	sst s3  }
0xc: {  	[smem:$0x3FAA] =	sst s4  }
0xd: {  	[smem:$0x3FAB] =	sst s5  }
0xe: {  	[smem:$0x3FAC] =	sst s6  }
0xf: {  	[smem:$0x3FAD] =	sst s7  }
0x10: {  	[smem:$0x3FAE] =	sst s8  }
0x11: {  	[smem:$0x3FAF] =	sst s9;
	s0 =	simm.s32 @!p0 $0x0  }
0x12: {  	s1 =	sld [smem:$0x3F95];
	s0 =	simm.s32 @p0 $0x1  }
0x13: {  	[smem:$0x3FB0] =	sst s0;
	s0 =	simm.s32 @!p1 $0x0  }
0x14: {  	s2 =	sld [smem:$0x3F94];
	s0 =	simm.s32 @p1 $0x1  }
0x15: {  	[smem:$0x3FB1] =	sst s0;
	s0 =	simm.s32 @!p2 $0x0  }
0x16: {  	s3 =	sld [smem:$0x3FDB];
	s0 =	simm.s32 @p2 $0x1  }
0x17: {  	s4 =	simm.s32 $0x1BF5;
	[smem:$0x3FB3] =	sst s0  }
0x18: {  	s0 =	sld [smem:$0x3F96];
	_ =	swait.ge [sflag:s4], $0x0  }
0x19: {  	s7 =	sld [smem:$0x3F97]  }
0x1a: {  	s8 =	sadd.s32 $0xFFFFE003, lr  }
0x1b: {  	s9 =	sadd.s32 $0xFFFFFEF7, lr;
	s5 =	simm.s32 $0xFFFFFFFF;
	p2 =	slt.u32 s8, $0xFFFFF086  }
0x1c: {  	p1 =	slt.u32 s9, $0xF7A;
	s5 =	simm.s32 @!p2 $0x0  }
0x1d: {  	s5 =	simm.s32 @p1 $0x1;
	p0 =	seq.s32 s7, s2  }
0x1e: {  	s7 =	smul.u32 @!p0 $0xF7A, s2;
	p2 =	seq.s32 @!p0 s5, $0x0  }
0x1f: {  	s9 =	smul.u32 $0xF7A, s1;
	s8 =	simm.s32 @!p0 $0x1BF5;
	p2 =	por !p2, p0  }
0x20: {  	[sflag:s8] =	ssyncset.s32 @!p0 $0xFFFFF086;
	s6 =	sadd.s32 @!p0 s3, s7;
	s7 =	simm.s32 @!p0 $0x108  }
0x21: {  	s3 =	sadd.s32 s3, s9;
	s6 =	sadd.s32 @!p0 $0x88, s6;
	s7 =	simm.s32 @p2 $0x1082  }
0x22: {  	[simem:s7], [sflag:s8] =	dma.local @!p0 [hbm:s6], $0xF7A  }
0x23: {  	s9 =	sor.u32 $0xD0000000, s2;
	s6 =	simm.s32 $0x108;
	_ =	swait.ge @!p0 [sflag:s8], $0x0  }
0x24: {  	s3 =	sadd.s32 $0x88, s3;
	s6 =	simm.s32 @!p1 $0x1082;
	[sflag:s4] =	ssyncset.s32 $0xFFFFF086  }
0x25: {  	[simem:s6], [sflag:s4] =	dma.local [hbm:s3], $0xF7A  }
0x26: {  	[smem:$0x3F97] =	sst s1;
	(tag) =	ssettag s2;
	_ =	strace s9  }
0x27: {  	s1 =	sld [smem:$0x3FA7]  }
0x28: {  	s2 =	sld [smem:$0x3FA8]  }
0x29: {  	s4 =	sld [smem:$0x3FAA]  }
0x2a: {  	p0 =	seq.s32 s5, $0x0;
	s5 =	sld [smem:$0x3FAB]  }
0x2b: {  	s6 =	sld [smem:$0x3FAC]  }
0x2c: {  	s7 =	sld [smem:$0x3FAD]  }
0x2d: {  	s3 =	simm.s32 $0x108;
	s8 =	sld [smem:$0x3FAE]  }
0x2e: {  	s3 =	simm.s32 @!p0 $0x1082;
	s9 =	sld [smem:$0x3FAF]  }
0x2f: {  	lr =	sadd.s32 s0, s3;
	s0 =	sld [smem:$0x3FA6]  }
0x30: {  	s3 =	sld [smem:$0x3FA9]  }
0x31: {  	[smem:$0x3FB2] =	sst s10  }
0x32: {  	s10 =	sld [smem:$0x3FB0];
	_ =	sdelay $0x3  }
0x33: {  	p0 =	seq.s32 s10, $0x1;
	s10 =	sld [smem:$0x3FB2];
	_ =	sdelay $0x3  }
0x34: {  	[smem:$0x3FB2] =	sst s10  }
0x35: {  	s10 =	sld [smem:$0x3FB1];
	_ =	sdelay $0x3  }
0x36: {  	p1 =	seq.s32 s10, $0x1;
	s10 =	sld [smem:$0x3FB2];
	_ =	sdelay $0x3  }
0x37: {  	[smem:$0x3FB2] =	sst s10  }
0x38: {  	s10 =	sld [smem:$0x3FB3]  }
0x39: {  	_ = 	snop;
	(pc) =	sbr.ind lr, $3  }
0x3a: {  	_ = 	snop  }
0x3b: {  	_ = 	snop  }
0x3c: {  	p2 =	seq.s32 s10, $0x1;
	s10 =	sld [smem:$0x3FB2]  }
0x3d: {  	_ =	shalt  }
0x3e: {  	_ =	shalt  }
0x3f: {  	_ =	shalt  }
0x40: {  	_ =	shalt  }
0x41: {  	_ =	shalt  }
0x42: {  	_ =	shalt  }
0x43: {  	_ =	shalt  }
0x44: {  	_ =	shalt  }
0x45: {  	_ =	shalt  }
0x46: {  	_ =	shalt  }
0x47: {  	_ =	shalt  }
0x48: {  	_ =	shalt  }
0x49: {  	_ =	shalt  }
0x4a: {  	_ =	shalt  }
0x4b: {  	_ =	shalt  }
0x4c: {  	_ =	shalt  }
0x4d: {  	_ =	shalt  }
0x4e: {  	_ =	shalt  }
0x4f: {  	_ =	shalt  }
0x50: {  	_ =	shalt  }
0x51: {  	_ =	shalt  }
0x52: {  	_ =	shalt  }
0x53: {  	_ =	shalt  }
0x54: {  	_ =	shalt  }
0x55: {  	_ =	shalt  }
0x56: {  	_ =	shalt  }
0x57: {  	_ =	shalt  }
0x58: {  	_ =	shalt  }
0x59: {  	_ =	shalt  }
0x5a: {  	_ =	shalt  }
0x5b: {  	_ =	shalt  }
0x5c: {  	_ =	shalt  }
0x5d: {  	_ =	shalt  }
0x5e: {  	_ =	shalt  }
0x5f: {  	_ =	shalt  }
0x60: {  	_ =	shalt  }
0x61: {  	_ =	shalt  }
0x62: {  	_ =	shalt  }
0x63: {  	_ =	shalt  }
0x64: {  	_ =	shalt  }
0x65: {  	_ =	shalt  }
0x66: {  	_ =	shalt  }
0x67: {  	_ =	shalt  }
0x68: {  	_ =	shalt  }
0x69: {  	_ =	shalt  }
0x6a: {  	_ =	shalt  }
0x6b: {  	_ =	shalt  }
0x6c: {  	_ =	shalt  }
0x6d: {  	_ =	shalt  }
0x6e: {  	_ =	shalt  }
0x6f: {  	_ =	shalt  }
0x70: {  	_ =	shalt  }
0x71: {  	_ =	shalt  }
0x72: {  	_ =	shalt  }
0x73: {  	_ =	shalt  }
0x74: {  	_ =	shalt  }
0x75: {  	_ =	shalt  }
0x76: {  	_ =	shalt  }
0x77: {  	_ =	shalt  }
0x78: {  	_ =	shalt  }
0x79: {  	_ =	shalt  }
0x7a: {  	_ =	shalt  }
0x7b: {  	_ =	shalt  }
0x7c: {  	_ =	shalt  }
0x7d: {  	_ =	shalt  }
0x7e: {  	_ =	shalt  }
0x7f: {  	_ =	shalt  }
0x80: {  	_ =	shalt  }
0x81: {  	_ =	shalt  }
0x82: {  	_ =	shalt  }
0x83: {  	_ =	shalt  }
0x84: {  	_ =	shalt  }
0x85: {  	_ =	shalt  }
0x86: {  	_ =	shalt  }
0x87: {  	_ =	shalt  }
.Lfunc_end0:
.L_simem_size_0:
called_computation_lowered:
.L_overlay_start_0:
0x88: {  	s2 =	sld [smem:$0x3FD9]  }
0x89: {  	s3 =	sld [smem:$0x3FFE];
	_ =	sdelay $0x1  }
0x8a: {  	s1 =	srdreg.scid  }
0x8b: {  	s0 =	sand.u32 $0x1, s1  }
0x8c: {  	s16 =	sshll.u32 s0, $0xA;
	s2 =	sadd.s32 s3, s2  }
0x8d: {  	s2 =	sadd.s32 s2, s16  }
0x8e: {  	[smem:$0x3FBE] =	sst s2  }
0x8f: {  	_ = 	snop  }
0x90: {  	(tm) =	ssettm $0x1  }
0x91: {  	s17 =	sld [smem:$0x3FFB];
	_ =	sdelay $0x3  }
0x92: {  	_ =	strace s17  }
0x93: {  	s2 =	sld [smem:$0x3FFC];
	_ =	sdelay $0x3  }
0x94: {  	_ =	strace s2  }
0x95: {  	s2 =	sld [smem:$0x3FFD];
	_ =	sdelay $0x3  }
0x96: {  	_ =	strace s2  }
0x97: {  	_ =	strace $0x8FFFFFFF  }
0x98: {  	s18 =	sld [smem:$0x3FDB];
	_ =	sdelay $0x1  }
0x99: {  	s19 =	simm.s32 $_scs_section_size  }
0x9a: {  	s4 =	simm.s32 $_size__tile_overlayer_lowered;
	s5 =	simm.s32 $_tile_overlayer_lowered  }
0x9b: {  	s22 =	simm.s32 $0x1BFF;
	s21 =	sshll.u32 s5, $0x1;
	s2 =	sadd.s32 s19, s18  }
0x9c: {  	s6 =	simm.s32 $0x0;
	s20 =	sshll.u32 s4, $0x1;
	s4 =	sadd.s32 s21, s2  }
0x9d: {  	[timem:s6], [sflag:s22] =	dma.local [hbm:s4], s20  }
0x9e: {  	_ =	swait.ge [sflag:s22], s20  }
0x9f: {  	s3 =	ssub.s32 $0x0, s20;
	[sflag:s22] =	ssyncset.done $0x0  }
0xa0: {  	[sflag:s22] =	ssyncadd.s32 s3;
	_ =	sdelay $0x1  }
0xa1: {  	s23 =	simm.s32 $0x1B8B  }
0xa2: {  	_ =	swait.ge [sflag:s23], $0x1  }
0xa3: {  	[sflag:s23] =	ssyncset.done $0x0  }
0xa4: {  	s25 =	simm.s32 $0x1B8E;
	s24 =	sld [smem:$0x3FFE];
	[sflag:s23] =	ssyncadd.s32 $0xFFFFFFFF  }
0xa5: {  	s26 =	simm.s32 $execute0_lowered;
	[smem:$0x3FD2] =	sst s25  }
0xa6: {  	s4 =	sshll.u32 s26, $0x1;
	_ =	strace $0x80000046;
	[dreg:$0x1] =	wrdreg $0xFFFFFFFF  }
0xa7: {  	s28 =	simm.s32 $_size_execute0_lowered;
	s2 =	sadd.s32 s2, s4;
	[dreg:$0x0] =	wrdreg $0x0  }
0xa8: {  	s4 =	sshll.u32 s28, $0x1;
	[dreg:$0x2] =	wrdreg s2  }
0xa9: {  	[dreg:$0x3] =	wrdreg s4  }
0xaa: {  	[dreg:$0x4] =	wrdreg $0xC0  }
0xab: {  	_ =	task [dreg:s6], $0x5FFFF  }
0xac: {  	[dreg:$0x1] =	wrdreg $0xFFFFFFFF  }
0xad: {  	[dreg:$0x0] =	wrdreg $0x60  }
0xae: {  	[dreg:$0x2] =	wrdreg s24  }
0xaf: {  	[dreg:$0x3] =	wrdreg $0x9  }
0xb0: {  	_ =	task.clear_ibuf [dreg:s6], $0x4FFFF;
	_ =	strace $0x90000046  }
0xb1: {  	s29 =	simm.s32 $0x9;
	_ =	strace $0x80000048  }
0xb2: {  	_ =	swait.ge [sflag:s29], $0x1  }
0xb3: {  	[sflag:s29] =	ssyncadd.s32 $0xFFFFFFFF  }
0xb4: {  	_ =	strace $0x90000048  }
0xb5: {  	_ =	sfence  }
0xb6: {  	s30 =	sld [smem:$0x0];
	_ =	sdelay $0x2  }
0xb7: {  	s31 =	sshll.u32 s1, $0xD;
	s1 =	sshrl.u32 s1, $0x2  }
0xb8: {  	s3 =	sand.u32 $0x4000, s31;
	s1 =	sadd.s32 s1, s30  }
0xb9: {  	s0 =	sor.u32 s3, s0;
	s1 =	sshll.u32 s1, $0x11  }
0xba: {  	s0 =	sor.u32 s1, s0  }
0xbb: {  	s0 =	sadd.s32 $0x8F2B, s0  }
0xbc: {  	[sflag:s0] =	ssyncadd.remote.s32 $0x1  }
0xbd: {  	_ =	sfence.sel $0xFFFF  }
0xbe: {  	[dreg:$0x0] =	wrdreg $0xFFFFFFFF;
	(pc) =	sbr.abs _section_cstart, $3  }
0xbf: {  	[dreg:$0x1] =	wrdreg $0xFFFFFFFF  }
0xc0: {  	_ =	task.clear_ibuf [dreg:s6], $0x2FFFF;
	_ =	strace $0x9FFFFFFF  }
0xc1: {  	(tm) =	ssettm $0x7FFFFFFF  }
tec
execute0_lowered:
.L_overlay_start_1:
0x0: {  	(tag) =	ssettag $0x1  }
0x1: {  	s0 =	srdreg.scid  }
0x2: {  	s5 =	rddreg [dreg:$0x0];
	s4 =	sand.u32 $0x1, s0  }
0x3: {  	s3 =	simm.s32 $0x0;
	s0 =	stileid.u32;
	s1 =	sshll.u32 s4, $0x4  }
0x4: {  	[smem:$0x7FF] =	sst s3;
	s7 =	sshll.u32 s0, $0x7;
	s2 =	sor.u32 s0, s1  }
0x5: {  	s8 =	sshll.u32 s4, $0x8;
	s4 =	ssub.s32 $0x2, s4;
	s6 =	sshrl.u32 s2, $0x3  }
0x6: {  	s9 =	sshll.u32 s0, $0x4;
	s1 =	rddreg [dreg:$0x1];
	s6 =	smul.u32 $0x14000, s6  }
0x7: {  	_ =	strace $0x80000047;
	s7 =	sand.u32 $0x380, s7;
	s29 =	sshrl.u32 s4, $0x1  }
0x8: {  	s8 =	sadd.s32 s8, s5;
	s30 =	ssub.s32 s4, s29;
	s6 =	sor.u32 s7, s6  }
0x9: {  	s31 =	sadd.s32 s9, s8;
	s8 =	simm.s32 $0x80;
	s6 =	sshrl.u32 s6, $0x3  }
0xa: {  	s9 =	simm.s32 $0x1;
	s7 =	simm.s32 $0x400;
	s5 =	sadd.s32 s6, s5  }
0xb: {  	v0 =	vimm.f32 $0.0e+00;
	s6 =	sadd.s32 $0x3600, s31;
	s4 =	sadd.s32 $0xD400, s5;
	s5 =	smax.u32 s30, $0x1  }
.LBB2_1:
0xc: {  	s10 =	simm.s32 $0x0  }
.LBB2_2:
0xd: {  	p0 =	sne.s32 s10, $0x9FC0  }
.Ltmp0:
0xe: {  	_ = 	snop;
	(pc) =	sbr.rel @p0 .LBB2_2-.Ltmp0, $3  }
0xf: {  	_ =	sdelay $0x1  }
0x10: {  	s11 =	sshra.s32 s10, $0x2  }
0x11: {  	s10 =	sadd.s32 $0x40, s10;
	[tilespmem:s11+$0x80] =	vst v0  }
0x12: {  	s10 =	simm.s32 $0x0;
	s11 =	smov.u32 s6  }
.LBB2_4:
0x13: {  	s12 =	sadd.s32 s10, s2  }
0x14: {  	p0 =	sgt.u32 s12, $0x9C3  }
0x15: {  	s12 =	simm.s32 @!p0 $0x0  }
0x16: {  	[tilespmem:s12], [sflag:$0x1] =	stream.linear.gather @!p0 [hbm4b:s11+s12], $0x80, $0x38;
	[tilespmem:$0x2880] =	vst v63  }
0x17: {  	s12 =	simm.s32 @!p0 $0x1  }
0x18: {  	_ =	swait.ge @!p0 [sflag:s12], $0x80  }
0x19: {  	[sflag:s12] =	ssyncset.done @!p0 $0x0  }
0x1a: {  	[sflag:s12] =	ssyncadd.s32 @!p0 $0xFFFFFF80  }
0x1b: {  	v1 =	vld @!p0 [tilespmem:$0x0];
	_ =	sdelay $0x6  }
0x1c: {  	v2 =	vimm.f32 @!p0 $1.000000000e+00;
	s12 =	simm.s32 @!p0 $0x80  }
0x1d: {  	[tilespmem:v1+s12+$0x0] =	vst.idx.add.f32.msk @!p0 $0xffff, v2  }
0x1e: {  	v1 =	vld @!p0 [tilespmem:$0x10];
	_ =	sdelay $0x7  }
0x1f: {  	[tilespmem:v1+s12+$0x0] =	vst.idx.add.f32.msk @!p0 $0xffff, v2  }
0x20: {  	v1 =	vld @!p0 [tilespmem:$0x20];
	_ =	sdelay $0x7  }
0x21: {  	[tilespmem:v1+s12+$0x0] =	vst.idx.add.f32.msk @!p0 $0xffff, v2  }
0x22: {  	v1 =	vld @!p0 [tilespmem:$0x30];
	_ =	sdelay $0x7  }
0x23: {  	[tilespmem:v1+s12+$0x0] =	vst.idx.add.f32.msk @!p0 $0xffff, v2  }
0x24: {  	v1 =	vld @!p0 [tilespmem:$0x40];
	_ =	sdelay $0x7  }
0x25: {  	[tilespmem:v1+s12+$0x0] =	vst.idx.add.f32.msk @!p0 $0xffff, v2  }
0x26: {  	v1 =	vld @!p0 [tilespmem:$0x50];
	_ =	sdelay $0x7  }
0x27: {  	[tilespmem:v1+s12+$0x0] =	vst.idx.add.f32.msk @!p0 $0xffff, v2  }
0x28: {  	v1 =	vld @!p0 [tilespmem:$0x60];
	_ =	sdelay $0x7  }
0x29: {  	[tilespmem:v1+s12+$0x0] =	vst.idx.add.f32.msk @!p0 $0xffff, v2  }
0x2a: {  	v1 =	vld @!p0 [tilespmem:$0x70];
	_ =	sdelay $0x1  }
0x2b: {  	s10 =	sadd.s32 $0x20, s10  }
0x2c: {  	p1 =	sne.s32 s10, $0x9E0  }
.Ltmp1:
0x2d: {  	_ = 	snop;
	(pc) =	sbr.rel @p1 .LBB2_4-.Ltmp1, $2  }
0x2e: {  	_ =	sdelay $0x2  }
0x2f: {  	s11 =	sadd.s32 $0x200, s11;
	[tilespmem:v1+s12+$0x0] =	vst.idx.add.f32.msk @!p0 $0xffff, v2  }
0x30: {  	s3 =	sadd.s32 $0x1, s3  }
0x31: {  	p0 =	sne.s32 s3, s5  }
.Ltmp2:
0x32: {  	_ = 	snop;
	(pc) =	sbr.rel @p0 .LBB2_1-.Ltmp2, $4  }
0x33: {  	[hbm4b:s4+s8] =	stream.strided.scatter [tilespmem:s8], [sflag:$0x1], $0x2800, s7, s8, $0x38;
	[tilespmem:$0x2880] =	vst v63  }
0x34: {  	_ =	swait.ge [sflag:s9], $0x2800  }
0x35: {  	[sflag:s9] =	ssyncset.done $0x0  }
0x36: {  	[sflag:s9] =	ssyncadd.s32 $0xFFFFD800  }
0x37: {  	_ =	sfence.sel $0x180000  }
0x38: {  	[bflag:$0x0] =	sbarrier.arrive $0xFFFF  }
0x39: {  	p0 =	sne.s32 s0, $0x0;
	_ =	strace $0x90000047  }
0x3a: {  	s0 =	sadd.s32 @!p0 $0x100000, s1;
	[bflag:$0x2] =	sbarrier.arrive $0xFFFF  }
0x3b: {  	[sflag:s0] =	ssyncadd.tile.s32 @!p0 $0x1;
	_ =	shalt  }
.Lfunc_end2:
_tile_overlayer_lowered:
.L_overlay_start_2:
0x3c: {  	(tag) =	ssettag $0x2  }
0x3d: {  	s0 =	rddreg [dreg:$0x0];
	s2 =	stileid.u32  }
0x3e: {  	s1 =	rddreg [dreg:$0x1];
	p0 =	sne.s32 s2, $0x0  }
0x3f: {  	s3 =	rddreg [dreg:$0x2];
	[bflag:$0x3] =	sbarrier.arrive $0xFFFF;
	s2 =	simm.s32 @!p0 $0x1C01  }
0x40: {  	[timem:s3], [sflag:s2] =	dma.local @!p0 [hbm:s0], s1  }
0x41: {  	s0 =	simm.s32 @!p0 $0x1  }
0x42: {  	_ =	swait.ge @!p0 [sflag:s0], s1  }
0x43: {  	s1 =	ssub.s32 @!p0 $0x0, s1;
	[sflag:s0] =	ssyncset.done @!p0 $0x0  }
0x44: {  	[sflag:s0] =	ssyncadd.s32 @!p0 s1  }
0x45: {  	[bflag:$0x3] =	sbarrier.arrive $0xFFFF  }
0x46: {  	_ =	shalt  }

</sc_bundles>
